<compile_context>
chip_gen: v7x
topology: tpu7x:2x2x1
jax: 0.10.2.dev20260603
libtpu: 0.0.44.dev20260713+nightly
codegen_flags: <defaults>
</compile_context>

<pallas_src>
import functools

import jax
import jax.numpy as jnp
from jax import lax
from jax.experimental import pallas as pl
from jax.experimental.pallas import tpu as pltpu
from jax.experimental.pallas import tpu_sc as plsc

_B = 8192
_K = 8192
_CODE_DIM = 32
_H = 256
_TWO_V = 128

_TB = 256
_KC = 2048
_G = 128


def _enc_argmin_body(x_ref, w1_ref, b1_ref, w2_ref, b2_ref, cb_ref,
                     ze_ref, idx_ref, cnorm_ref):
    @pl.when(pl.program_id(0) == 0)
    def _init_cnorm():
        cbf = cb_ref[...]
        cnorm_ref[...] = lax.dot_general(
            jnp.ones((1, _CODE_DIM), jnp.float32), cbf * cbf,
            (((1,), (1,)), ((), ())), preferred_element_type=jnp.float32)

    xb = x_ref[...]
    h = jnp.maximum(jnp.dot(xb, w1_ref[...],
                            preferred_element_type=jnp.float32)
                    + b1_ref[...], 0.0)
    z = (jnp.dot(h, w2_ref[...], preferred_element_type=jnp.float32)
         + b2_ref[...])
    ze_ref[...] = z

    znorm = jnp.sum(z ** 2, axis=-1, keepdims=True)

    v = jnp.full((_TB, _G), jnp.inf, dtype=jnp.float32)
    ibase = jnp.zeros((_TB, _G), dtype=jnp.int32)
    for c in range(_K // _KC):
        cb = cb_ref[pl.ds(c * _KC, _KC), :]
        zc2 = lax.dot_general(z, cb + cb, (((1,), (1,)), ((), ())),
                              preferred_element_type=jnp.float32)
        for g in range(_KC // _G):
            base = c * _KC + g * _G
            dg = (znorm - zc2[:, g * _G:(g + 1) * _G]
                  + cnorm_ref[0:1, pl.ds(base, _G)])
            take = dg < v
            v = jnp.where(take, dg, v)
            ibase = jnp.where(take, base, ibase)
    ielem = ibase + lax.broadcasted_iota(jnp.int32, (_TB, _G), 1)
    cmin = jnp.min(v, axis=1, keepdims=True)
    gidx = jnp.min(jnp.where(v == cmin, ielem, _K),
                   axis=1, keepdims=True)
    idx_ref[...] = gidx.reshape(1, 1, _TB)


def _enc_argmin(xf, enc_w1, enc_b1, enc_w2, enc_b2, codebook):
    nb = _B // _TB
    return pl.pallas_call(
        _enc_argmin_body,
        grid=(nb,),
        in_specs=[
            pl.BlockSpec((_TB, _TWO_V), lambda i: (i, 0)),
            pl.BlockSpec((_TWO_V, _H), lambda i: (0, 0)),
            pl.BlockSpec((1, _H), lambda i: (0, 0)),
            pl.BlockSpec((_H, _CODE_DIM), lambda i: (0, 0)),
            pl.BlockSpec((1, _CODE_DIM), lambda i: (0, 0)),
            pl.BlockSpec((_K, _CODE_DIM), lambda i: (0, 0)),
        ],
        out_specs=[
            pl.BlockSpec((_TB, _CODE_DIM), lambda i: (i, 0)),
            pl.BlockSpec((1, 1, _TB), lambda i: (i, 0, 0)),
        ],
        out_shape=[
            jax.ShapeDtypeStruct((_B, _CODE_DIM), jnp.float32),
            jax.ShapeDtypeStruct((nb, 1, _TB), jnp.int32),
        ],
        scratch_shapes=[pltpu.VMEM((1, _K), jnp.float32)],
    )(xf, enc_w1, enc_b1.reshape(1, _H), enc_w2, enc_b2.reshape(1, _CODE_DIM),
      codebook)


@functools.cache
def _make_sc_gather():
    info = plsc.get_sparse_core_info()
    nc, ns = info.num_cores, info.num_subcores
    nw = nc * ns
    bw = _B // nw
    mesh = plsc.VectorSubcoreMesh(core_axis_name="c", subcore_axis_name="s")

    @functools.partial(
        pl.kernel, mesh=mesh,
        out_type=jax.ShapeDtypeStruct((_B, _CODE_DIM), jnp.float32),
        compiler_params=pltpu.CompilerParams(use_tc_tiling_on_sc=False),
        scratch_types=[
            pltpu.VMEM((bw,), jnp.int32),
            pltpu.VMEM((bw, _CODE_DIM), jnp.float32),
            pltpu.SemaphoreType.DMA,
        ],
    )
    def gather(table_hbm, idx_hbm, out_hbm, idx_v, rows_v, sem):
        wid = lax.axis_index("s") * nc + lax.axis_index("c")
        base = wid * bw
        pltpu.sync_copy(idx_hbm.at[pl.ds(base, bw)], idx_v)
        pltpu.async_copy(table_hbm.at[idx_v], rows_v, sem).wait()
        pltpu.sync_copy(rows_v, out_hbm.at[pl.ds(base, bw)])

    return gather


def _decoder_body(zq_ref, w1_ref, b1_ref, w2_ref, b2_ref, out_ref):
    h2 = jnp.maximum(jnp.dot(zq_ref[...], w1_ref[...],
                             preferred_element_type=jnp.float32)
                     + b1_ref[...], 0.0)
    out_ref[...] = (jnp.dot(h2, w2_ref[...],
                            preferred_element_type=jnp.float32)
                    + b2_ref[...])


def _decoder(zq, dec_w1, dec_b1, dec_w2, dec_b2):
    td = 1024
    return pl.pallas_call(
        _decoder_body,
        grid=(_B // td,),
        in_specs=[
            pl.BlockSpec((td, _CODE_DIM), lambda i: (i, 0)),
            pl.BlockSpec((_CODE_DIM, _H), lambda i: (0, 0)),
            pl.BlockSpec((1, _H), lambda i: (0, 0)),
            pl.BlockSpec((_H, _TWO_V), lambda i: (0, 0)),
            pl.BlockSpec((1, _TWO_V), lambda i: (0, 0)),
        ],
        out_specs=pl.BlockSpec((td, _TWO_V), lambda i: (i, 0)),
        out_shape=jax.ShapeDtypeStruct((_B, _TWO_V), jnp.float32),
    )(zq, dec_w1, dec_b1.reshape(1, _H), dec_w2, dec_b2.reshape(1, _TWO_V))


def kernel(x, enc_w1, enc_b1, enc_w2, enc_b2, dec_w1, dec_b1, dec_w2, dec_b2,
           codebook):
    b = x.shape[0]
    xf = x.reshape(b, -1)
    z_e_x, idx3 = _enc_argmin(xf, enc_w1, enc_b1, enc_w2, enc_b2, codebook)
    x_code_idx = idx3.reshape(b)
    z_q_x = _make_sc_gather()(codebook, x_code_idx)
    logits = _decoder(z_q_x, dec_w1, dec_b1, dec_w2, dec_b2)
    return (logits.reshape(b, 2, _TWO_V // 2), z_e_x, z_q_x, x_code_idx)

# --- scband reference (transcript-rebuilt; emitter-appended) ---
"""Pipeline reference for scband-pesla-sswm-678604833407 (READ-ONLY COPY).

The authoritative reference and input builder live on the scoring server;
editing this copy changes nothing except your own understanding.
"""

import jax, jax.numpy as jnp
import numpy as np

B = 8192
V = 64
H = 256
CODE_DIM = 32
K = 8192

def setup_inputs(seed: int = 0) -> dict:
    key = jax.random.key(seed)
    ks = jax.random.split(key, 8)
    x = jax.random.normal(ks[0], (B, 2, V), dtype=jnp.float32)
    enc_w1 = jax.random.normal(ks[1], (2 * V, H), dtype=jnp.float32) * 0.01
    enc_b1 = jnp.zeros((H,), dtype=jnp.float32)
    enc_w2 = jax.random.normal(ks[2], (H, CODE_DIM), dtype=jnp.float32) * 0.01
    enc_b2 = jnp.zeros((CODE_DIM,), dtype=jnp.float32)
    dec_w1 = jax.random.normal(ks[3], (CODE_DIM, H), dtype=jnp.float32) * 0.01
    dec_b1 = jnp.zeros((H,), dtype=jnp.float32)
    dec_w2 = jax.random.normal(ks[4], (H, 2 * V), dtype=jnp.float32) * 0.01
    dec_b2 = jnp.zeros((2 * V,), dtype=jnp.float32)
    codebook = jax.random.uniform(ks[5], (K, CODE_DIM), dtype=jnp.float32, minval=-1.0 / K, maxval=1.0 / K)
    return {"x": x, "enc_w1": enc_w1, "enc_b1": enc_b1, "enc_w2": enc_w2, "enc_b2": enc_b2,
            "dec_w1": dec_w1, "dec_b1": dec_b1, "dec_w2": dec_w2, "dec_b2": dec_b2,
            "codebook": codebook}

def reference(x, enc_w1, enc_b1, enc_w2, enc_b2, dec_w1, dec_b1, dec_w2, dec_b2, codebook):
    b = x.shape[0]
    # encoder: MLP over flattened one-hot-like state pair -> z_e_x
    h = jnp.maximum(x.reshape(b, -1) @ enc_w1 + enc_b1, 0.0)
    z_e_x = h @ enc_w2 + enc_b2
    # codebook straight-through (greedy): nearest-neighbor quantization
    dist = (jnp.sum(z_e_x ** 2, axis=-1, keepdims=True)
            - 2.0 * (z_e_x @ codebook.T)
            + jnp.sum(codebook ** 2, axis=-1)[None, :])
    x_code_idx = jnp.argmin(dist, axis=-1)
    z_q_x = jnp.take(codebook, x_code_idx, axis=0)
    z_q_x_st = z_e_x + jax.lax.stop_gradient(z_q_x - z_e_x)
    # decoder: MLP -> logits over the two state coordinates
    h2 = jnp.maximum(z_q_x_st @ dec_w1 + dec_b1, 0.0)
    x_logits = (h2 @ dec_w2 + dec_b2).reshape(b, 2, V)
    return (x_logits, z_e_x, z_q_x, x_code_idx)

if __name__ == "__main__":
    import jax
    _d = setup_inputs()
    print(jax.jit(kernel)(*tuple(_d.values())))

</pallas_src>

<mosaic_0001>
#map = affine_map<(d0, d1) -> (0, 0)>
#map1 = affine_map<(d0, d1) -> (0)>
module attributes {stable_mosaic.version = 14 : i64} {
  func.func @gather(%arg0: i32, %arg1: i32, %arg2: memref<8192x32xf32, #tpu.memory_space<hbm>>, %arg3: memref<8192xi32, #tpu.memory_space<hbm>>, %arg4: memref<8192x32xf32, #tpu.memory_space<hbm>>, %arg5: memref<256xi32, #tpu.memory_space<vmem>>, %arg6: memref<256x32xf32, #tpu.memory_space<vmem>>, %arg7: memref<!tpu.dma_semaphore, #tpu.memory_space<semaphore_mem>>) attributes {dimension_semantics = [#tpu.dimension_semantics<core_parallel>, #tpu.dimension_semantics<subcore_parallel>], iteration_bounds = array<i64: 2, 16>, scalar_prefetch = 0 : i64, scratch_operands = 3 : i64, tpu.core_type = #tpu.core_type<sc_vector_subcore>, window_params = [{transform_indices = #map}, {transform_indices = #map1}, {transform_indices = #map}]} {
    %mul3A = arith.constant 2 : i32
    %mul3A_0 = arith.muli %arg1, %mul3A : i32
    %add3A = arith.addi %mul3A_0, %arg0 : i32
    %mul3A_1 = arith.constant 256 : i32
    %mul3A_2 = arith.muli %add3A, %mul3A_1 : i32
    "tpu.region"() ({
      %run_scoped3A = tpu.sem_alloc : memref<!tpu.dma_semaphore, #tpu.memory_space<semaphore_mem>>
      %dma_start3A_7 = tpu.memref_slice %arg3[%mul3A_2] : memref<8192xi32, #tpu.memory_space<hbm>> -> memref<256xi32, #tpu.memory_space<hbm>>
      %dma_start3A_8 = tpu.memref_slice %arg3[%mul3A_2] : memref<8192xi32, #tpu.memory_space<hbm>> -> memref<256xi32, #tpu.memory_space<hbm>>
      tpu.enqueue_dma source(%dma_start3A_8 : memref<256xi32, #tpu.memory_space<hbm>>) target(%arg5 : memref<256xi32, #tpu.memory_space<vmem>>) target_semaphore(%run_scoped3A : memref<!tpu.dma_semaphore, #tpu.memory_space<semaphore_mem>>)
      %dma_wait3A_9 = tpu.memref_slice %arg3[%mul3A_2] : memref<8192xi32, #tpu.memory_space<hbm>> -> memref<256xi32, #tpu.memory_space<hbm>>
      %dma_wait3A_10 = tpu.memref_slice %arg3[%mul3A_2] : memref<8192xi32, #tpu.memory_space<hbm>> -> memref<256xi32, #tpu.memory_space<hbm>>
      tpu.wait_dma2 semaphore(%run_scoped3A : memref<!tpu.dma_semaphore, #tpu.memory_space<semaphore_mem>>) src(%dma_wait3A_10 : memref<256xi32, #tpu.memory_space<hbm>>) dst(%arg5 : memref<256xi32, #tpu.memory_space<vmem>>)
      tpu.yield
    }) : () -> ()
    %dma_start3A = arith.constant 0 : i32
    %dma_start3A_3 = arith.constant 0 : i32
    %dma_start3A_4 = tpu.memref_slice %arg2[%dma_start3A, %dma_start3A_3] : memref<8192x32xf32, #tpu.memory_space<hbm>> -> memref<8192x32xf32, #tpu.memory_space<hbm>>
    tpu.enqueue_indirect_dma source(%dma_start3A_4 : memref<8192x32xf32, #tpu.memory_space<hbm>>) target(%arg6 : memref<256x32xf32, #tpu.memory_space<vmem>>) offsets(%arg5 : memref<256xi32, #tpu.memory_space<vmem>>) semaphore(%arg7 : memref<!tpu.dma_semaphore, #tpu.memory_space<semaphore_mem>>)
    %dma_wait3A = arith.constant 0 : i32
    %dma_wait3A_5 = arith.constant 0 : i32
    %dma_wait3A_6 = tpu.memref_slice %arg2[%dma_wait3A, %dma_wait3A_5] : memref<8192x32xf32, #tpu.memory_space<hbm>> -> memref<8192x32xf32, #tpu.memory_space<hbm>>
    tpu.wait_indirect_dma semaphore(%arg7 : memref<!tpu.dma_semaphore, #tpu.memory_space<semaphore_mem>>) src(%dma_wait3A_6 : memref<8192x32xf32, #tpu.memory_space<hbm>>) dst(%arg6 : memref<256x32xf32, #tpu.memory_space<vmem>>)
    "tpu.region"() ({
      %run_scoped3A = tpu.sem_alloc : memref<!tpu.dma_semaphore, #tpu.memory_space<semaphore_mem>>
      %dma_start3A_7 = arith.constant 0 : i32
      %dma_start3A_8 = tpu.memref_slice %arg4[%mul3A_2, %dma_start3A_7] : memref<8192x32xf32, #tpu.memory_space<hbm>> -> memref<256x32xf32, #tpu.memory_space<hbm>>
      %dma_start3A_9 = arith.constant 0 : i32
      %dma_start3A_10 = tpu.memref_slice %arg4[%mul3A_2, %dma_start3A_9] : memref<8192x32xf32, #tpu.memory_space<hbm>> -> memref<256x32xf32, #tpu.memory_space<hbm>>
      tpu.enqueue_dma source(%arg6 : memref<256x32xf32, #tpu.memory_space<vmem>>) target(%dma_start3A_10 : memref<256x32xf32, #tpu.memory_space<hbm>>) target_semaphore(%run_scoped3A : memref<!tpu.dma_semaphore, #tpu.memory_space<semaphore_mem>>)
      %dma_wait3A_11 = arith.constant 0 : i32
      %dma_wait3A_12 = tpu.memref_slice %arg4[%mul3A_2, %dma_wait3A_11] : memref<8192x32xf32, #tpu.memory_space<hbm>> -> memref<256x32xf32, #tpu.memory_space<hbm>>
      %dma_wait3A_13 = arith.constant 0 : i32
      %dma_wait3A_14 = tpu.memref_slice %arg4[%mul3A_2, %dma_wait3A_13] : memref<8192x32xf32, #tpu.memory_space<hbm>> -> memref<256x32xf32, #tpu.memory_space<hbm>>
      tpu.wait_dma2 semaphore(%run_scoped3A : memref<!tpu.dma_semaphore, #tpu.memory_space<semaphore_mem>>) src(%arg6 : memref<256x32xf32, #tpu.memory_space<vmem>>) dst(%dma_wait3A_14 : memref<256x32xf32, #tpu.memory_space<hbm>>)
      tpu.yield
    }) : () -> ()
    return
  }
}

module attributes {stable_mosaic.version = 14 : i64} {
  func.func @_enc_argmin_body(%arg0: i32, %arg1: memref<256x128xf32, #tpu.memory_space<vmem>>, %arg2: memref<128x256xf32, #tpu.memory_space<vmem>>, %arg3: memref<1x256xf32, #tpu.memory_space<vmem>>, %arg4: memref<256x32xf32, #tpu.memory_space<vmem>>, %arg5: memref<1x32xf32, #tpu.memory_space<vmem>>, %arg6: memref<8192x32xf32, #tpu.memory_space<vmem>>, %arg7: memref<256x32xf32, #tpu.memory_space<vmem>>, %arg8: memref<1x1x256xi32, #tpu.memory_space<vmem>>, %arg9: memref<1x8192xf32, #tpu.memory_space<vmem>>) attributes {dimension_semantics = [#tpu.dimension_semantics<arbitrary>], iteration_bounds = array<i64: 32>, scalar_prefetch = 0 : i64, scratch_operands = 1 : i64, tpu.core_type = #tpu.core_type<tc>, window_params = [{transform_indices = @transform_0, window_bounds = array<i64: 256, 128>}, {pipeline_mode = #tpu.pipeline_mode<synchronous>, transform_indices = @transform_1, window_bounds = array<i64: 128, 256>}, {pipeline_mode = #tpu.pipeline_mode<synchronous>, transform_indices = @transform_2, window_bounds = array<i64: 1, 256>}, {pipeline_mode = #tpu.pipeline_mode<synchronous>, transform_indices = @transform_3, window_bounds = array<i64: 256, 32>}, {pipeline_mode = #tpu.pipeline_mode<synchronous>, transform_indices = @transform_4, window_bounds = array<i64: 1, 32>}, {pipeline_mode = #tpu.pipeline_mode<synchronous>, transform_indices = @transform_5, window_bounds = array<i64: 8192, 32>}, {transform_indices = @transform_6, window_bounds = array<i64: 256, 32>}, {transform_indices = @transform_7, window_bounds = array<i64: 1, 1, 256>}]} {
    %eq3A = arith.constant 0 : i32
    %eq3A_0 = arith.cmpi eq, %arg0, %eq3A : i32
    %convert_element_type3A = arith.extui %eq3A_0 : i1 to i32
    %cond3A = arith.constant 0 : i32
    %cond3A_1 = arith.cmpi ne, %convert_element_type3A, %cond3A : i32
    scf.if %cond3A_1 {
      %get3A_897 = arith.constant 0 : index
      %get3A_898 = arith.constant 0 : index
      %get3A_899 = vector.load %arg6[%get3A_897, %get3A_898] : memref<8192x32xf32, #tpu.memory_space<vmem>>, vector<8192x32xf32>
      %broadcast_in_dim3A_900 = arith.constant 1.000000e+00 : f32
      %broadcast_in_dim3A_901 = vector.broadcast %broadcast_in_dim3A_900 : f32 to vector<1x32xf32>
      %mul3A = arith.mulf %get3A_899, %get3A_899 : vector<8192x32xf32>
      %dot_general3A_902 = arith.constant dense<0.000000e+00> : vector<1x8192xf32>
      %dot_general3A_903 = tpu.matmul %broadcast_in_dim3A_901, %mul3A, %dot_general3A_902 {dimension_numbers = #tpu.dot_dimension_numbers<[1], [1], [0], [0], [0, 0, 1, 0], [], []>, transpose_lhs_hint = false} : vector<1x32xf32>, vector<8192x32xf32>, vector<1x8192xf32> -> vector<1x8192xf32>
      %swap3A_904 = arith.constant 0 : index
      %swap3A_905 = arith.constant 0 : index
      %swap3A_906 = vector.load %arg9[%swap3A_904, %swap3A_905] : memref<1x8192xf32, #tpu.memory_space<vmem>>, vector<1x8192xf32>
      tpu.vector_store %arg9[%swap3A_904, %swap3A_905], %dot_general3A_903 {strides = array<i32>} : memref<1x8192xf32, #tpu.memory_space<vmem>>, vector<1x8192xf32>,
    } else {
    }
    %get3A = arith.constant 0 : index
    %get3A_2 = arith.constant 0 : index
    %get3A_3 = vector.load %arg1[%get3A, %get3A_2] : memref<256x128xf32, #tpu.memory_space<vmem>>, vector<256x128xf32>
    %get3A_4 = arith.constant 0 : index
    %get3A_5 = arith.constant 0 : index
    %get3A_6 = vector.load %arg2[%get3A_4, %get3A_5] : memref<128x256xf32, #tpu.memory_space<vmem>>, vector<128x256xf32>
    %dot_general3A = arith.constant dense<0.000000e+00> : vector<256x256xf32>
    %dot_general3A_7 = tpu.matmul %get3A_3, %get3A_6, %dot_general3A {dimension_numbers = #tpu.dot_dimension_numbers<[1], [0], [0], [1], [0, 0, 1, 1], [], []>, transpose_lhs_hint = false} : vector<256x128xf32>, vector<128x256xf32>, vector<256x256xf32> -> vector<256x256xf32>
    %get3A_8 = arith.constant 0 : index
    %get3A_9 = arith.constant 0 : index
    %get3A_10 = vector.load %arg3[%get3A_8, %get3A_9] : memref<1x256xf32, #tpu.memory_space<vmem>>, vector<1x256xf32>
    %add3A = vector.broadcast %get3A_10 : vector<1x256xf32> to vector<256x256xf32>
    %add3A_11 = arith.addf %dot_general3A_7, %add3A : vector<256x256xf32>
    %max3A = arith.constant 0.000000e+00 : f32
    %max3A_12 = vector.broadcast %max3A : f32 to vector<256x256xf32>
    %max3A_13 = arith.maximumf %add3A_11, %max3A_12 : vector<256x256xf32>
    %get3A_14 = arith.constant 0 : index
    %get3A_15 = arith.constant 0 : index
    %get3A_16 = vector.load %arg4[%get3A_14, %get3A_15] : memref<256x32xf32, #tpu.memory_space<vmem>>, vector<256x32xf32>
    %dot_general3A_17 = arith.constant dense<0.000000e+00> : vector<256x32xf32>
    %dot_general3A_18 = tpu.matmul %max3A_13, %get3A_16, %dot_general3A_17 {dimension_numbers = #tpu.dot_dimension_numbers<[1], [0], [0], [1], [0, 0, 1, 1], [], []>, transpose_lhs_hint = false} : vector<256x256xf32>, vector<256x32xf32>, vector<256x32xf32> -> vector<256x32xf32>
    %get3A_19 = arith.constant 0 : index
    %get3A_20 = arith.constant 0 : index
    %get3A_21 = vector.load %arg5[%get3A_19, %get3A_20] : memref<1x32xf32, #tpu.memory_space<vmem>>, vector<1x32xf32>
    %add3A_22 = vector.broadcast %get3A_21 : vector<1x32xf32> to vector<256x32xf32>
    %add3A_23 = arith.addf %dot_general3A_18, %add3A_22 : vector<256x32xf32>
    %swap3A = arith.constant 0 : index
    %swap3A_24 = arith.constant 0 : index
    %swap3A_25 = vector.load %arg7[%swap3A, %swap3A_24] : memref<256x32xf32, #tpu.memory_space<vmem>>, vector<256x32xf32>
    tpu.vector_store %arg7[%swap3A, %swap3A_24], %add3A_23 {strides = array<i32>} : memref<256x32xf32, #tpu.memory_space<vmem>>, vector<256x32xf32>,
    %integer_pow3A = arith.mulf %add3A_23, %add3A_23 : vector<256x32xf32>
    %reduce_sum3A = arith.constant dense<0.000000e+00> : vector<256xf32>
    %reduce_sum3A_26 = vector.multi_reduction <add>, %integer_pow3A, %reduce_sum3A [1] : vector<256x32xf32> to vector<256xf32>
    %broadcast_in_dim3A = vector.shape_cast %reduce_sum3A_26 : vector<256xf32> to vector<256x1xf32>
    %broadcast_in_dim3A_27 = arith.constant 0x7F800000 : f32
    %broadcast_in_dim3A_28 = vector.broadcast %broadcast_in_dim3A_27 : f32 to vector<256x128xf32>
    %broadcast_in_dim3A_29 = arith.constant 0 : i32
    %broadcast_in_dim3A_30 = vector.broadcast %broadcast_in_dim3A_29 : i32 to vector<256x128xi32>
    %get3A_31 = arith.constant 0 : index
    %get3A_32 = arith.constant 0 : index
    %get3A_33 = vector.load %arg6[%get3A_31, %get3A_32] : memref<8192x32xf32, #tpu.memory_space<vmem>>, vector<2048x32xf32>
    %add3A_34 = arith.addf %get3A_33, %get3A_33 : vector<2048x32xf32>
    %dot_general3A_35 = arith.constant dense<0.000000e+00> : vector<256x2048xf32>
    %dot_general3A_36 = tpu.matmul %add3A_23, %add3A_34, %dot_general3A_35 {dimension_numbers = #tpu.dot_dimension_numbers<[1], [1], [0], [0], [0, 0, 1, 0], [], []>, transpose_lhs_hint = false} : vector<256x32xf32>, vector<2048x32xf32>, vector<256x2048xf32> -> vector<256x2048xf32>
    %slice3A = vector.extract_strided_slice %dot_general3A_36 {offsets = [0, 0], sizes = [256, 128], strides = [1, 1]} : vector<256x2048xf32> to vector<256x128xf32>
    %sub3A = vector.broadcast %broadcast_in_dim3A : vector<256x1xf32> to vector<256x128xf32>
    %sub3A_37 = arith.subf %sub3A, %slice3A : vector<256x128xf32>
    %get3A_38 = arith.constant 0 : index
    %get3A_39 = arith.constant 0 : index
    %get3A_40 = vector.load %arg9[%get3A_38, %get3A_39] : memref<1x8192xf32, #tpu.memory_space<vmem>>, vector<1x128xf32>
    %add3A_41 = vector.broadcast %get3A_40 : vector<1x128xf32> to vector<256x128xf32>
    %add3A_42 = arith.addf %sub3A_37, %add3A_41 : vector<256x128xf32>
    %lt3A = arith.cmpf olt, %add3A_42, %broadcast_in_dim3A_28 : vector<256x128xf32>
    %select_n3A = arith.select %lt3A, %add3A_42, %broadcast_in_dim3A_28 : vector<256x128xi1>, vector<256x128xf32>
    %jit3A = arith.constant 0 : i32
    %broadcast_in_dim3A_43 = vector.broadcast %jit3A : i32 to vector<256x128xi32>
    %select_n3A_44 = arith.select %lt3A, %broadcast_in_dim3A_43, %broadcast_in_dim3A_30 : vector<256x128xi1>, vector<256x128xi32>
    %slice3A_45 = vector.extract_strided_slice %dot_general3A_36 {offsets = [0, 128], sizes = [256, 128], strides = [1, 1]} : vector<256x2048xf32> to vector<256x128xf32>
    %sub3A_46 = vector.broadcast %broadcast_in_dim3A : vector<256x1xf32> to vector<256x128xf32>
    %sub3A_47 = arith.subf %sub3A_46, %slice3A_45 : vector<256x128xf32>
    %get3A_48 = arith.constant 0 : index
    %get3A_49 = arith.constant 128 : index
    %get3A_50 = vector.load %arg9[%get3A_48, %get3A_49] : memref<1x8192xf32, #tpu.memory_space<vmem>>, vector<1x128xf32>
    %add3A_51 = vector.broadcast %get3A_50 : vector<1x128xf32> to vector<256x128xf32>
    %add3A_52 = arith.addf %sub3A_47, %add3A_51 : vector<256x128xf32>
    %lt3A_53 = arith.cmpf olt, %add3A_52, %select_n3A : vector<256x128xf32>
    %select_n3A_54 = arith.select %lt3A_53, %add3A_52, %select_n3A : vector<256x128xi1>, vector<256x128xf32>
    %jit3A_55 = arith.constant 128 : i32
    %broadcast_in_dim3A_56 = vector.broadcast %jit3A_55 : i32 to vector<256x128xi32>
    %select_n3A_57 = arith.select %lt3A_53, %broadcast_in_dim3A_56, %select_n3A_44 : vector<256x128xi1>, vector<256x128xi32>
    %slice3A_58 = vector.extract_strided_slice %dot_general3A_36 {offsets = [0, 256], sizes = [256, 128], strides = [1, 1]} : vector<256x2048xf32> to vector<256x128xf32>
    %sub3A_59 = vector.broadcast %broadcast_in_dim3A : vector<256x1xf32> to vector<256x128xf32>
    %sub3A_60 = arith.subf %sub3A_59, %slice3A_58 : vector<256x128xf32>
    %get3A_61 = arith.constant 0 : index
    %get3A_62 = arith.constant 256 : index
    %get3A_63 = vector.load %arg9[%get3A_61, %get3A_62] : memref<1x8192xf32, #tpu.memory_space<vmem>>, vector<1x128xf32>
    %add3A_64 = vector.broadcast %get3A_63 : vector<1x128xf32> to vector<256x128xf32>
    %add3A_65 = arith.addf %sub3A_60, %add3A_64 : vector<256x128xf32>
    %lt3A_66 = arith.cmpf olt, %add3A_65, %select_n3A_54 : vector<256x128xf32>
    %select_n3A_67 = arith.select %lt3A_66, %add3A_65, %select_n3A_54 : vector<256x128xi1>, vector<256x128xf32>
    %jit3A_68 = arith.constant 256 : i32
    %broadcast_in_dim3A_69 = vector.broadcast %jit3A_68 : i32 to vector<256x128xi32>
    %select_n3A_70 = arith.select %lt3A_66, %broadcast_in_dim3A_69, %select_n3A_57 : vector<256x128xi1>, vector<256x128xi32>
    %slice3A_71 = vector.extract_strided_slice %dot_general3A_36 {offsets = [0, 384], sizes = [256, 128], strides = [1, 1]} : vector<256x2048xf32> to vector<256x128xf32>
    %sub3A_72 = vector.broadcast %broadcast_in_dim3A : vector<256x1xf32> to vector<256x128xf32>
    %sub3A_73 = arith.subf %sub3A_72, %slice3A_71 : vector<256x128xf32>
    %get3A_74 = arith.constant 0 : index
    %get3A_75 = arith.constant 384 : index
    %get3A_76 = vector.load %arg9[%get3A_74, %get3A_75] : memref<1x8192xf32, #tpu.memory_space<vmem>>, vector<1x128xf32>
    %add3A_77 = vector.broadcast %get3A_76 : vector<1x128xf32> to vector<256x128xf32>
    %add3A_78 = arith.addf %sub3A_73, %add3A_77 : vector<256x128xf32>
    %lt3A_79 = arith.cmpf olt, %add3A_78, %select_n3A_67 : vector<256x128xf32>
    %select_n3A_80 = arith.select %lt3A_79, %add3A_78, %select_n3A_67 : vector<256x128xi1>, vector<256x128xf32>
    %jit3A_81 = arith.constant 384 : i32
    %broadcast_in_dim3A_82 = vector.broadcast %jit3A_81 : i32 to vector<256x128xi32>
    %select_n3A_83 = arith.select %lt3A_79, %broadcast_in_dim3A_82, %select_n3A_70 : vector<256x128xi1>, vector<256x128xi32>
    %slice3A_84 = vector.extract_strided_slice %dot_general3A_36 {offsets = [0, 512], sizes = [256, 128], strides = [1, 1]} : vector<256x2048xf32> to vector<256x128xf32>
    %sub3A_85 = vector.broadcast %broadcast_in_dim3A : vector<256x1xf32> to vector<256x128xf32>
    %sub3A_86 = arith.subf %sub3A_85, %slice3A_84 : vector<256x128xf32>
    %get3A_87 = arith.constant 0 : index
    %get3A_88 = arith.constant 512 : index
    %get3A_89 = vector.load %arg9[%get3A_87, %get3A_88] : memref<1x8192xf32, #tpu.memory_space<vmem>>, vector<1x128xf32>
    %add3A_90 = vector.broadcast %get3A_89 : vector<1x128xf32> to vector<256x128xf32>
    %add3A_91 = arith.addf %sub3A_86, %add3A_90 : vector<256x128xf32>
    %lt3A_92 = arith.cmpf olt, %add3A_91, %select_n3A_80 : vector<256x128xf32>
    %select_n3A_93 = arith.select %lt3A_92, %add3A_91, %select_n3A_80 : vector<256x128xi1>, vector<256x128xf32>
    %jit3A_94 = arith.constant 512 : i32
    %broadcast_in_dim3A_95 = vector.broadcast %jit3A_94 : i32 to vector<256x128xi32>
    %select_n3A_96 = arith.select %lt3A_92, %broadcast_in_dim3A_95, %select_n3A_83 : vector<256x128xi1>, vector<256x128xi32>
    %slice3A_97 = vector.extract_strided_slice %dot_general3A_36 {offsets = [0, 640], sizes = [256, 128], strides = [1, 1]} : vector<256x2048xf32> to vector<256x128xf32>
    %sub3A_98 = vector.broadcast %broadcast_in_dim3A : vector<256x1xf32> to vector<256x128xf32>
    %sub3A_99 = arith.subf %sub3A_98, %slice3A_97 : vector<256x128xf32>
    %get3A_100 = arith.constant 0 : index
    %get3A_101 = arith.constant 640 : index
    %get3A_102 = vector.load %arg9[%get3A_100, %get3A_101] : memref<1x8192xf32, #tpu.memory_space<vmem>>, vector<1x128xf32>
    %add3A_103 = vector.broadcast %get3A_102 : vector<1x128xf32> to vector<256x128xf32>
    %add3A_104 = arith.addf %sub3A_99, %add3A_103 : vector<256x128xf32>
    %lt3A_105 = arith.cmpf olt, %add3A_104, %select_n3A_93 : vector<256x128xf32>
    %select_n3A_106 = arith.select %lt3A_105, %add3A_104, %select_n3A_93 : vector<256x128xi1>, vector<256x128xf32>
    %jit3A_107 = arith.constant 640 : i32
    %broadcast_in_dim3A_108 = vector.broadcast %jit3A_107 : i32 to vector<256x128xi32>
    %select_n3A_109 = arith.select %lt3A_105, %broadcast_in_dim3A_108, %select_n3A_96 : vector<256x128xi1>, vector<256x128xi32>
    %slice3A_110 = vector.extract_strided_slice %dot_general3A_36 {offsets = [0, 768], sizes = [256, 128], strides = [1, 1]} : vector<256x2048xf32> to vector<256x128xf32>
    %sub3A_111 = vector.broadcast %broadcast_in_dim3A : vector<256x1xf32> to vector<256x128xf32>
    %sub3A_112 = arith.subf %sub3A_111, %slice3A_110 : vector<256x128xf32>
    %get3A_113 = arith.constant 0 : index
    %get3A_114 = arith.constant 768 : index
    %get3A_115 = vector.load %arg9[%get3A_113, %get3A_114] : memref<1x8192xf32, #tpu.memory_space<vmem>>, vector<1x128xf32>
    %add3A_116 = vector.broadcast %get3A_115 : vector<1x128xf32> to vector<256x128xf32>
    %add3A_117 = arith.addf %sub3A_112, %add3A_116 : vector<256x128xf32>
    %lt3A_118 = arith.cmpf olt, %add3A_117, %select_n3A_106 : vector<256x128xf32>
    %select_n3A_119 = arith.select %lt3A_118, %add3A_117, %select_n3A_106 : vector<256x128xi1>, vector<256x128xf32>
    %jit3A_120 = arith.constant 768 : i32
    %broadcast_in_dim3A_121 = vector.broadcast %jit3A_120 : i32 to vector<256x128xi32>
    %select_n3A_122 = arith.select %lt3A_118, %broadcast_in_dim3A_121, %select_n3A_109 : vector<256x128xi1>, vector<256x128xi32>
    %slice3A_123 = vector.extract_strided_slice %dot_general3A_36 {offsets = [0, 896], sizes = [256, 128], strides = [1, 1]} : vector<256x2048xf32> to vector<256x128xf32>
    %sub3A_124 = vector.broadcast %broadcast_in_dim3A : vector<256x1xf32> to vector<256x128xf32>
    %sub3A_125 = arith.subf %sub3A_124, %slice3A_123 : vector<256x128xf32>
    %get3A_126 = arith.constant 0 : index
    %get3A_127 = arith.constant 896 : index
    %get3A_128 = vector.load %arg9[%get3A_126, %get3A_127] : memref<1x8192xf32, #tpu.memory_space<vmem>>, vector<1x128xf32>
    %add3A_129 = vector.broadcast %get3A_128 : vector<1x128xf32> to vector<256x128xf32>
    %add3A_130 = arith.addf %sub3A_125, %add3A_129 : vector<256x128xf32>
    %lt3A_131 = arith.cmpf olt, %add3A_130, %select_n3A_119 : vector<256x128xf32>
    %select_n3A_132 = arith.select %lt3A_131, %add3A_130, %select_n3A_119 : vector<256x128xi1>, vector<256x128xf32>
    %jit3A_133 = arith.constant 896 : i32
    %broadcast_in_dim3A_134 = vector.broadcast %jit3A_133 : i32 to vector<256x128xi32>
    %select_n3A_135 = arith.select %lt3A_131, %broadcast_in_dim3A_134, %select_n3A_122 : vector<256x128xi1>, vector<256x128xi32>
    %slice3A_136 = vector.extract_strided_slice %dot_general3A_36 {offsets = [0, 1024], sizes = [256, 128], strides = [1, 1]} : vector<256x2048xf32> to vector<256x128xf32>
    %sub3A_137 = vector.broadcast %broadcast_in_dim3A : vector<256x1xf32> to vector<256x128xf32>
    %sub3A_138 = arith.subf %sub3A_137, %slice3A_136 : vector<256x128xf32>
    %get3A_139 = arith.constant 0 : index
    %get3A_140 = arith.constant 1024 : index
    %get3A_141 = vector.load %arg9[%get3A_139, %get3A_140] : memref<1x8192xf32, #tpu.memory_space<vmem>>, vector<1x128xf32>
    %add3A_142 = vector.broadcast %get3A_141 : vector<1x128xf32> to vector<256x128xf32>
    %add3A_143 = arith.addf %sub3A_138, %add3A_142 : vector<256x128xf32>
    %lt3A_144 = arith.cmpf olt, %add3A_143, %select_n3A_132 : vector<256x128xf32>
    %select_n3A_145 = arith.select %lt3A_144, %add3A_143, %select_n3A_132 : vector<256x128xi1>, vector<256x128xf32>
    %jit3A_146 = arith.constant 1024 : i32
    %broadcast_in_dim3A_147 = vector.broadcast %jit3A_146 : i32 to vector<256x128xi32>
    %select_n3A_148 = arith.select %lt3A_144, %broadcast_in_dim3A_147, %select_n3A_135 : vector<256x128xi1>, vector<256x128xi32>
    %slice3A_149 = vector.extract_strided_slice %dot_general3A_36 {offsets = [0, 1152], sizes = [256, 128], strides = [1, 1]} : vector<256x2048xf32> to vector<256x128xf32>
    %sub3A_150 = vector.broadcast %broadcast_in_dim3A : vector<256x1xf32> to vector<256x128xf32>
    %sub3A_151 = arith.subf %sub3A_150, %slice3A_149 : vector<256x128xf32>
    %get3A_152 = arith.constant 0 : index
    %get3A_153 = arith.constant 1152 : index
    %get3A_154 = vector.load %arg9[%get3A_152, %get3A_153] : memref<1x8192xf32, #tpu.memory_space<vmem>>, vector<1x128xf32>
    %add3A_155 = vector.broadcast %get3A_154 : vector<1x128xf32> to vector<256x128xf32>
    %add3A_156 = arith.addf %sub3A_151, %add3A_155 : vector<256x128xf32>
    %lt3A_157 = arith.cmpf olt, %add3A_156, %select_n3A_145 : vector<256x128xf32>
    %select_n3A_158 = arith.select %lt3A_157, %add3A_156, %select_n3A_145 : vector<256x128xi1>, vector<256x128xf32>
    %jit3A_159 = arith.constant 1152 : i32
    %broadcast_in_dim3A_160 = vector.broadcast %jit3A_159 : i32 to vector<256x128xi32>
    %select_n3A_161 = arith.select %lt3A_157, %broadcast_in_dim3A_160, %select_n3A_148 : vector<256x128xi1>, vector<256x128xi32>
    %slice3A_162 = vector.extract_strided_slice %dot_general3A_36 {offsets = [0, 1280], sizes = [256, 128], strides = [1, 1]} : vector<256x2048xf32> to vector<256x128xf32>
    %sub3A_163 = vector.broadcast %broadcast_in_dim3A : vector<256x1xf32> to vector<256x128xf32>
    %sub3A_164 = arith.subf %sub3A_163, %slice3A_162 : vector<256x128xf32>
    %get3A_165 = arith.constant 0 : index
    %get3A_166 = arith.constant 1280 : index
    %get3A_167 = vector.load %arg9[%get3A_165, %get3A_166] : memref<1x8192xf32, #tpu.memory_space<vmem>>, vector<1x128xf32>
    %add3A_168 = vector.broadcast %get3A_167 : vector<1x128xf32> to vector<256x128xf32>
    %add3A_169 = arith.addf %sub3A_164, %add3A_168 : vector<256x128xf32>
    %lt3A_170 = arith.cmpf olt, %add3A_169, %select_n3A_158 : vector<256x128xf32>
    %select_n3A_171 = arith.select %lt3A_170, %add3A_169, %select_n3A_158 : vector<256x128xi1>, vector<256x128xf32>
    %jit3A_172 = arith.constant 1280 : i32
    %broadcast_in_dim3A_173 = vector.broadcast %jit3A_172 : i32 to vector<256x128xi32>
    %select_n3A_174 = arith.select %lt3A_170, %broadcast_in_dim3A_173, %select_n3A_161 : vector<256x128xi1>, vector<256x128xi32>
    %slice3A_175 = vector.extract_strided_slice %dot_general3A_36 {offsets = [0, 1408], sizes = [256, 128], strides = [1, 1]} : vector<256x2048xf32> to vector<256x128xf32>
    %sub3A_176 = vector.broadcast %broadcast_in_dim3A : vector<256x1xf32> to vector<256x128xf32>
    %sub3A_177 = arith.subf %sub3A_176, %slice3A_175 : vector<256x128xf32>
    %get3A_178 = arith.constant 0 : index
    %get3A_179 = arith.constant 1408 : index
    %get3A_180 = vector.load %arg9[%get3A_178, %get3A_179] : memref<1x8192xf32, #tpu.memory_space<vmem>>, vector<1x128xf32>
    %add3A_181 = vector.broadcast %get3A_180 : vector<1x128xf32> to vector<256x128xf32>
    %add3A_182 = arith.addf %sub3A_177, %add3A_181 : vector<256x128xf32>
    %lt3A_183 = arith.cmpf olt, %add3A_182, %select_n3A_171 : vector<256x128xf32>
    %select_n3A_184 = arith.select %lt3A_183, %add3A_182, %select_n3A_171 : vector<256x128xi1>, vector<256x128xf32>
    %jit3A_185 = arith.constant 1408 : i32
    %broadcast_in_dim3A_186 = vector.broadcast %jit3A_185 : i32 to vector<256x128xi32>
    %select_n3A_187 = arith.select %lt3A_183, %broadcast_in_dim3A_186, %select_n3A_174 : vector<256x128xi1>, vector<256x128xi32>
    %slice3A_188 = vector.extract_strided_slice %dot_general3A_36 {offsets = [0, 1536], sizes = [256, 128], strides = [1, 1]} : vector<256x2048xf32> to vector<256x128xf32>
    %sub3A_189 = vector.broadcast %broadcast_in_dim3A : vector<256x1xf32> to vector<256x128xf32>
    %sub3A_190 = arith.subf %sub3A_189, %slice3A_188 : vector<256x128xf32>
    %get3A_191 = arith.constant 0 : index
    %get3A_192 = arith.constant 1536 : index
    %get3A_193 = vector.load %arg9[%get3A_191, %get3A_192] : memref<1x8192xf32, #tpu.memory_space<vmem>>, vector<1x128xf32>
    %add3A_194 = vector.broadcast %get3A_193 : vector<1x128xf32> to vector<256x128xf32>
    %add3A_195 = arith.addf %sub3A_190, %add3A_194 : vector<256x128xf32>
    %lt3A_196 = arith.cmpf olt, %add3A_195, %select_n3A_184 : vector<256x128xf32>
    %select_n3A_197 = arith.select %lt3A_196, %add3A_195, %select_n3A_184 : vector<256x128xi1>, vector<256x128xf32>
    %jit3A_198 = arith.constant 1536 : i32
    %broadcast_in_dim3A_199 = vector.broadcast %jit3A_198 : i32 to vector<256x128xi32>
    %select_n3A_200 = arith.select %lt3A_196, %broadcast_in_dim3A_199, %select_n3A_187 : vector<256x128xi1>, vector<256x128xi32>
    %slice3A_201 = vector.extract_strided_slice %dot_general3A_36 {offsets = [0, 1664], sizes = [256, 128], strides = [1, 1]} : vector<256x2048xf32> to vector<256x128xf32>
    %sub3A_202 = vector.broadcast %broadcast_in_dim3A : vector<256x1xf32> to vector<256x128xf32>
    %sub3A_203 = arith.subf %sub3A_202, %slice3A_201 : vector<256x128xf32>
    %get3A_204 = arith.constant 0 : index
    %get3A_205 = arith.constant 1664 : index
    %get3A_206 = vector.load %arg9[%get3A_204, %get3A_205] : memref<1x8192xf32, #tpu.memory_space<vmem>>, vector<1x128xf32>
    %add3A_207 = vector.broadcast %get3A_206 : vector<1x128xf32> to vector<256x128xf32>
    %add3A_208 = arith.addf %sub3A_203, %add3A_207 : vector<256x128xf32>
    %lt3A_209 = arith.cmpf olt, %add3A_208, %select_n3A_197 : vector<256x128xf32>
    %select_n3A_210 = arith.select %lt3A_209, %add3A_208, %select_n3A_197 : vector<256x128xi1>, vector<256x128xf32>
    %jit3A_211 = arith.constant 1664 : i32
    %broadcast_in_dim3A_212 = vector.broadcast %jit3A_211 : i32 to vector<256x128xi32>
    %select_n3A_213 = arith.select %lt3A_209, %broadcast_in_dim3A_212, %select_n3A_200 : vector<256x128xi1>, vector<256x128xi32>
    %slice3A_214 = vector.extract_strided_slice %dot_general3A_36 {offsets = [0, 1792], sizes = [256, 128], strides = [1, 1]} : vector<256x2048xf32> to vector<256x128xf32>
    %sub3A_215 = vector.broadcast %broadcast_in_dim3A : vector<256x1xf32> to vector<256x128xf32>
    %sub3A_216 = arith.subf %sub3A_215, %slice3A_214 : vector<256x128xf32>
    %get3A_217 = arith.constant 0 : index
    %get3A_218 = arith.constant 1792 : index
    %get3A_219 = vector.load %arg9[%get3A_217, %get3A_218] : memref<1x8192xf32, #tpu.memory_space<vmem>>, vector<1x128xf32>
    %add3A_220 = vector.broadcast %get3A_219 : vector<1x128xf32> to vector<256x128xf32>
    %add3A_221 = arith.addf %sub3A_216, %add3A_220 : vector<256x128xf32>
    %lt3A_222 = arith.cmpf olt, %add3A_221, %select_n3A_210 : vector<256x128xf32>
    %select_n3A_223 = arith.select %lt3A_222, %add3A_221, %select_n3A_210 : vector<256x128xi1>, vector<256x128xf32>
    %jit3A_224 = arith.constant 1792 : i32
    %broadcast_in_dim3A_225 = vector.broadcast %jit3A_224 : i32 to vector<256x128xi32>
    %select_n3A_226 = arith.select %lt3A_222, %broadcast_in_dim3A_225, %select_n3A_213 : vector<256x128xi1>, vector<256x128xi32>
    %slice3A_227 = vector.extract_strided_slice %dot_general3A_36 {offsets = [0, 1920], sizes = [256, 128], strides = [1, 1]} : vector<256x2048xf32> to vector<256x128xf32>
    %sub3A_228 = vector.broadcast %broadcast_in_dim3A : vector<256x1xf32> to vector<256x128xf32>
    %sub3A_229 = arith.subf %sub3A_228, %slice3A_227 : vector<256x128xf32>
    %get3A_230 = arith.constant 0 : index
    %get3A_231 = arith.constant 1920 : index
    %get3A_232 = vector.load %arg9[%get3A_230, %get3A_231] : memref<1x8192xf32, #tpu.memory_space<vmem>>, vector<1x128xf32>
    %add3A_233 = vector.broadcast %get3A_232 : vector<1x128xf32> to vector<256x128xf32>
    %add3A_234 = arith.addf %sub3A_229, %add3A_233 : vector<256x128xf32>
    %lt3A_235 = arith.cmpf olt, %add3A_234, %select_n3A_223 : vector<256x128xf32>
    %select_n3A_236 = arith.select %lt3A_235, %add3A_234, %select_n3A_223 : vector<256x128xi1>, vector<256x128xf32>
    %jit3A_237 = arith.constant 1920 : i32
    %broadcast_in_dim3A_238 = vector.broadcast %jit3A_237 : i32 to vector<256x128xi32>
    %select_n3A_239 = arith.select %lt3A_235, %broadcast_in_dim3A_238, %select_n3A_226 : vector<256x128xi1>, vector<256x128xi32>
    %get3A_240 = arith.constant 2048 : index
    %get3A_241 = arith.constant 0 : index
    %get3A_242 = vector.load %arg6[%get3A_240, %get3A_241] : memref<8192x32xf32, #tpu.memory_space<vmem>>, vector<2048x32xf32>
    %add3A_243 = arith.addf %get3A_242, %get3A_242 : vector<2048x32xf32>
    %dot_general3A_244 = arith.constant dense<0.000000e+00> : vector<256x2048xf32>
    %dot_general3A_245 = tpu.matmul %add3A_23, %add3A_243, %dot_general3A_244 {dimension_numbers = #tpu.dot_dimension_numbers<[1], [1], [0], [0], [0, 0, 1, 0], [], []>, transpose_lhs_hint = false} : vector<256x32xf32>, vector<2048x32xf32>, vector<256x2048xf32> -> vector<256x2048xf32>
    %slice3A_246 = vector.extract_strided_slice %dot_general3A_245 {offsets = [0, 0], sizes = [256, 128], strides = [1, 1]} : vector<256x2048xf32> to vector<256x128xf32>
    %sub3A_247 = vector.broadcast %broadcast_in_dim3A : vector<256x1xf32> to vector<256x128xf32>
    %sub3A_248 = arith.subf %sub3A_247, %slice3A_246 : vector<256x128xf32>
    %get3A_249 = arith.constant 0 : index
    %get3A_250 = arith.constant 2048 : index
    %get3A_251 = vector.load %arg9[%get3A_249, %get3A_250] : memref<1x8192xf32, #tpu.memory_space<vmem>>, vector<1x128xf32>
    %add3A_252 = vector.broadcast %get3A_251 : vector<1x128xf32> to vector<256x128xf32>
    %add3A_253 = arith.addf %sub3A_248, %add3A_252 : vector<256x128xf32>
    %lt3A_254 = arith.cmpf olt, %add3A_253, %select_n3A_236 : vector<256x128xf32>
    %select_n3A_255 = arith.select %lt3A_254, %add3A_253, %select_n3A_236 : vector<256x128xi1>, vector<256x128xf32>
    %jit3A_256 = arith.constant 2048 : i32
    %broadcast_in_dim3A_257 = vector.broadcast %jit3A_256 : i32 to vector<256x128xi32>
    %select_n3A_258 = arith.select %lt3A_254, %broadcast_in_dim3A_257, %select_n3A_239 : vector<256x128xi1>, vector<256x128xi32>
    %slice3A_259 = vector.extract_strided_slice %dot_general3A_245 {offsets = [0, 128], sizes = [256, 128], strides = [1, 1]} : vector<256x2048xf32> to vector<256x128xf32>
    %sub3A_260 = vector.broadcast %broadcast_in_dim3A : vector<256x1xf32> to vector<256x128xf32>
    %sub3A_261 = arith.subf %sub3A_260, %slice3A_259 : vector<256x128xf32>
    %get3A_262 = arith.constant 0 : index
    %get3A_263 = arith.constant 2176 : index
    %get3A_264 = vector.load %arg9[%get3A_262, %get3A_263] : memref<1x8192xf32, #tpu.memory_space<vmem>>, vector<1x128xf32>
    %add3A_265 = vector.broadcast %get3A_264 : vector<1x128xf32> to vector<256x128xf32>
    %add3A_266 = arith.addf %sub3A_261, %add3A_265 : vector<256x128xf32>
    %lt3A_267 = arith.cmpf olt, %add3A_266, %select_n3A_255 : vector<256x128xf32>
    %select_n3A_268 = arith.select %lt3A_267, %add3A_266, %select_n3A_255 : vector<256x128xi1>, vector<256x128xf32>
    %jit3A_269 = arith.constant 2176 : i32
    %broadcast_in_dim3A_270 = vector.broadcast %jit3A_269 : i32 to vector<256x128xi32>
    %select_n3A_271 = arith.select %lt3A_267, %broadcast_in_dim3A_270, %select_n3A_258 : vector<256x128xi1>, vector<256x128xi32>
    %slice3A_272 = vector.extract_strided_slice %dot_general3A_245 {offsets = [0, 256], sizes = [256, 128], strides = [1, 1]} : vector<256x2048xf32> to vector<256x128xf32>
    %sub3A_273 = vector.broadcast %broadcast_in_dim3A : vector<256x1xf32> to vector<256x128xf32>
    %sub3A_274 = arith.subf %sub3A_273, %slice3A_272 : vector<256x128xf32>
    %get3A_275 = arith.constant 0 : index
    %get3A_276 = arith.constant 2304 : index
    %get3A_277 = vector.load %arg9[%get3A_275, %get3A_276] : memref<1x8192xf32, #tpu.memory_space<vmem>>, vector<1x128xf32>
    %add3A_278 = vector.broadcast %get3A_277 : vector<1x128xf32> to vector<256x128xf32>
    %add3A_279 = arith.addf %sub3A_274, %add3A_278 : vector<256x128xf32>
    %lt3A_280 = arith.cmpf olt, %add3A_279, %select_n3A_268 : vector<256x128xf32>
    %select_n3A_281 = arith.select %lt3A_280, %add3A_279, %select_n3A_268 : vector<256x128xi1>, vector<256x128xf32>
    %jit3A_282 = arith.constant 2304 : i32
    %broadcast_in_dim3A_283 = vector.broadcast %jit3A_282 : i32 to vector<256x128xi32>
    %select_n3A_284 = arith.select %lt3A_280, %broadcast_in_dim3A_283, %select_n3A_271 : vector<256x128xi1>, vector<256x128xi32>
    %slice3A_285 = vector.extract_strided_slice %dot_general3A_245 {offsets = [0, 384], sizes = [256, 128], strides = [1, 1]} : vector<256x2048xf32> to vector<256x128xf32>
    %sub3A_286 = vector.broadcast %broadcast_in_dim3A : vector<256x1xf32> to vector<256x128xf32>
    %sub3A_287 = arith.subf %sub3A_286, %slice3A_285 : vector<256x128xf32>
    %get3A_288 = arith.constant 0 : index
    %get3A_289 = arith.constant 2432 : index
    %get3A_290 = vector.load %arg9[%get3A_288, %get3A_289] : memref<1x8192xf32, #tpu.memory_space<vmem>>, vector<1x128xf32>
    %add3A_291 = vector.broadcast %get3A_290 : vector<1x128xf32> to vector<256x128xf32>
    %add3A_292 = arith.addf %sub3A_287, %add3A_291 : vector<256x128xf32>
    %lt3A_293 = arith.cmpf olt, %add3A_292, %select_n3A_281 : vector<256x128xf32>
    %select_n3A_294 = arith.select %lt3A_293, %add3A_292, %select_n3A_281 : vector<256x128xi1>, vector<256x128xf32>
    %jit3A_295 = arith.constant 2432 : i32
    %broadcast_in_dim3A_296 = vector.broadcast %jit3A_295 : i32 to vector<256x128xi32>
    %select_n3A_297 = arith.select %lt3A_293, %broadcast_in_dim3A_296, %select_n3A_284 : vector<256x128xi1>, vector<256x128xi32>
    %slice3A_298 = vector.extract_strided_slice %dot_general3A_245 {offsets = [0, 512], sizes = [256, 128], strides = [1, 1]} : vector<256x2048xf32> to vector<256x128xf32>
    %sub3A_299 = vector.broadcast %broadcast_in_dim3A : vector<256x1xf32> to vector<256x128xf32>
    %sub3A_300 = arith.subf %sub3A_299, %slice3A_298 : vector<256x128xf32>
    %get3A_301 = arith.constant 0 : index
    %get3A_302 = arith.constant 2560 : index
    %get3A_303 = vector.load %arg9[%get3A_301, %get3A_302] : memref<1x8192xf32, #tpu.memory_space<vmem>>, vector<1x128xf32>
    %add3A_304 = vector.broadcast %get3A_303 : vector<1x128xf32> to vector<256x128xf32>
    %add3A_305 = arith.addf %sub3A_300, %add3A_304 : vector<256x128xf32>
    %lt3A_306 = arith.cmpf olt, %add3A_305, %select_n3A_294 : vector<256x128xf32>
    %select_n3A_307 = arith.select %lt3A_306, %add3A_305, %select_n3A_294 : vector<256x128xi1>, vector<256x128xf32>
    %jit3A_308 = arith.constant 2560 : i32
    %broadcast_in_dim3A_309 = vector.broadcast %jit3A_308 : i32 to vector<256x128xi32>
    %select_n3A_310 = arith.select %lt3A_306, %broadcast_in_dim3A_309, %select_n3A_297 : vector<256x128xi1>, vector<256x128xi32>
    %slice3A_311 = vector.extract_strided_slice %dot_general3A_245 {offsets = [0, 640], sizes = [256, 128], strides = [1, 1]} : vector<256x2048xf32> to vector<256x128xf32>
    %sub3A_312 = vector.broadcast %broadcast_in_dim3A : vector<256x1xf32> to vector<256x128xf32>
    %sub3A_313 = arith.subf %sub3A_312, %slice3A_311 : vector<256x128xf32>
    %get3A_314 = arith.constant 0 : index
    %get3A_315 = arith.constant 2688 : index
    %get3A_316 = vector.load %arg9[%get3A_314, %get3A_315] : memref<1x8192xf32, #tpu.memory_space<vmem>>, vector<1x128xf32>
    %add3A_317 = vector.broadcast %get3A_316 : vector<1x128xf32> to vector<256x128xf32>
    %add3A_318 = arith.addf %sub3A_313, %add3A_317 : vector<256x128xf32>
    %lt3A_319 = arith.cmpf olt, %add3A_318, %select_n3A_307 : vector<256x128xf32>
    %select_n3A_320 = arith.select %lt3A_319, %add3A_318, %select_n3A_307 : vector<256x128xi1>, vector<256x128xf32>
    %jit3A_321 = arith.constant 2688 : i32
    %broadcast_in_dim3A_322 = vector.broadcast %jit3A_321 : i32 to vector<256x128xi32>
    %select_n3A_323 = arith.select %lt3A_319, %broadcast_in_dim3A_322, %select_n3A_310 : vector<256x128xi1>, vector<256x128xi32>
    %slice3A_324 = vector.extract_strided_slice %dot_general3A_245 {offsets = [0, 768], sizes = [256, 128], strides = [1, 1]} : vector<256x2048xf32> to vector<256x128xf32>
    %sub3A_325 = vector.broadcast %broadcast_in_dim3A : vector<256x1xf32> to vector<256x128xf32>
    %sub3A_326 = arith.subf %sub3A_325, %slice3A_324 : vector<256x128xf32>
    %get3A_327 = arith.constant 0 : index
    %get3A_328 = arith.constant 2816 : index
    %get3A_329 = vector.load %arg9[%get3A_327, %get3A_328] : memref<1x8192xf32, #tpu.memory_space<vmem>>, vector<1x128xf32>
    %add3A_330 = vector.broadcast %get3A_329 : vector<1x128xf32> to vector<256x128xf32>
    %add3A_331 = arith.addf %sub3A_326, %add3A_330 : vector<256x128xf32>
    %lt3A_332 = arith.cmpf olt, %add3A_331, %select_n3A_320 : vector<256x128xf32>
    %select_n3A_333 = arith.select %lt3A_332, %add3A_331, %select_n3A_320 : vector<256x128xi1>, vector<256x128xf32>
    %jit3A_334 = arith.constant 2816 : i32
    %broadcast_in_dim3A_335 = vector.broadcast %jit3A_334 : i32 to vector<256x128xi32>
    %select_n3A_336 = arith.select %lt3A_332, %broadcast_in_dim3A_335, %select_n3A_323 : vector<256x128xi1>, vector<256x128xi32>
    %slice3A_337 = vector.extract_strided_slice %dot_general3A_245 {offsets = [0, 896], sizes = [256, 128], strides = [1, 1]} : vector<256x2048xf32> to vector<256x128xf32>
    %sub3A_338 = vector.broadcast %broadcast_in_dim3A : vector<256x1xf32> to vector<256x128xf32>
    %sub3A_339 = arith.subf %sub3A_338, %slice3A_337 : vector<256x128xf32>
    %get3A_340 = arith.constant 0 : index
    %get3A_341 = arith.constant 2944 : index
    %get3A_342 = vector.load %arg9[%get3A_340, %get3A_341] : memref<1x8192xf32, #tpu.memory_space<vmem>>, vector<1x128xf32>
    %add3A_343 = vector.broadcast %get3A_342 : vector<1x128xf32> to vector<256x128xf32>
    %add3A_344 = arith.addf %sub3A_339, %add3A_343 : vector<256x128xf32>
    %lt3A_345 = arith.cmpf olt, %add3A_344, %select_n3A_333 : vector<256x128xf32>
    %select_n3A_346 = arith.select %lt3A_345, %add3A_344, %select_n3A_333 : vector<256x128xi1>, vector<256x128xf32>
    %jit3A_347 = arith.constant 2944 : i32
    %broadcast_in_dim3A_348 = vector.broadcast %jit3A_347 : i32 to vector<256x128xi32>
    %select_n3A_349 = arith.select %lt3A_345, %broadcast_in_dim3A_348, %select_n3A_336 : vector<256x128xi1>, vector<256x128xi32>
    %slice3A_350 = vector.extract_strided_slice %dot_general3A_245 {offsets = [0, 1024], sizes = [256, 128], strides = [1, 1]} : vector<256x2048xf32> to vector<256x128xf32>
    %sub3A_351 = vector.broadcast %broadcast_in_dim3A : vector<256x1xf32> to vector<256x128xf32>
    %sub3A_352 = arith.subf %sub3A_351, %slice3A_350 : vector<256x128xf32>
    %get3A_353 = arith.constant 0 : index
    %get3A_354 = arith.constant 3072 : index
    %get3A_355 = vector.load %arg9[%get3A_353, %get3A_354] : memref<1x8192xf32, #tpu.memory_space<vmem>>, vector<1x128xf32>
    %add3A_356 = vector.broadcast %get3A_355 : vector<1x128xf32> to vector<256x128xf32>
    %add3A_357 = arith.addf %sub3A_352, %add3A_356 : vector<256x128xf32>
    %lt3A_358 = arith.cmpf olt, %add3A_357, %select_n3A_346 : vector<256x128xf32>
    %select_n3A_359 = arith.select %lt3A_358, %add3A_357, %select_n3A_346 : vector<256x128xi1>, vector<256x128xf32>
    %jit3A_360 = arith.constant 3072 : i32
    %broadcast_in_dim3A_361 = vector.broadcast %jit3A_360 : i32 to vector<256x128xi32>
    %select_n3A_362 = arith.select %lt3A_358, %broadcast_in_dim3A_361, %select_n3A_349 : vector<256x128xi1>, vector<256x128xi32>
    %slice3A_363 = vector.extract_strided_slice %dot_general3A_245 {offsets = [0, 1152], sizes = [256, 128], strides = [1, 1]} : vector<256x2048xf32> to vector<256x128xf32>
    %sub3A_364 = vector.broadcast %broadcast_in_dim3A : vector<256x1xf32> to vector<256x128xf32>
    %sub3A_365 = arith.subf %sub3A_364, %slice3A_363 : vector<256x128xf32>
    %get3A_366 = arith.constant 0 : index
    %get3A_367 = arith.constant 3200 : index
    %get3A_368 = vector.load %arg9[%get3A_366, %get3A_367] : memref<1x8192xf32, #tpu.memory_space<vmem>>, vector<1x128xf32>
    %add3A_369 = vector.broadcast %get3A_368 : vector<1x128xf32> to vector<256x128xf32>
    %add3A_370 = arith.addf %sub3A_365, %add3A_369 : vector<256x128xf32>
    %lt3A_371 = arith.cmpf olt, %add3A_370, %select_n3A_359 : vector<256x128xf32>
    %select_n3A_372 = arith.select %lt3A_371, %add3A_370, %select_n3A_359 : vector<256x128xi1>, vector<256x128xf32>
    %jit3A_373 = arith.constant 3200 : i32
    %broadcast_in_dim3A_374 = vector.broadcast %jit3A_373 : i32 to vector<256x128xi32>
    %select_n3A_375 = arith.select %lt3A_371, %broadcast_in_dim3A_374, %select_n3A_362 : vector<256x128xi1>, vector<256x128xi32>
    %slice3A_376 = vector.extract_strided_slice %dot_general3A_245 {offsets = [0, 1280], sizes = [256, 128], strides = [1, 1]} : vector<256x2048xf32> to vector<256x128xf32>
    %sub3A_377 = vector.broadcast %broadcast_in_dim3A : vector<256x1xf32> to vector<256x128xf32>
    %sub3A_378 = arith.subf %sub3A_377, %slice3A_376 : vector<256x128xf32>
    %get3A_379 = arith.constant 0 : index
    %get3A_380 = arith.constant 3328 : index
    %get3A_381 = vector.load %arg9[%get3A_379, %get3A_380] : memref<1x8192xf32, #tpu.memory_space<vmem>>, vector<1x128xf32>
    %add3A_382 = vector.broadcast %get3A_381 : vector<1x128xf32> to vector<256x128xf32>
    %add3A_383 = arith.addf %sub3A_378, %add3A_382 : vector<256x128xf32>
    %lt3A_384 = arith.cmpf olt, %add3A_383, %select_n3A_372 : vector<256x128xf32>
    %select_n3A_385 = arith.select %lt3A_384, %add3A_383, %select_n3A_372 : vector<256x128xi1>, vector<256x128xf32>
    %jit3A_386 = arith.constant 3328 : i32
    %broadcast_in_dim3A_387 = vector.broadcast %jit3A_386 : i32 to vector<256x128xi32>
    %select_n3A_388 = arith.select %lt3A_384, %broadcast_in_dim3A_387, %select_n3A_375 : vector<256x128xi1>, vector<256x128xi32>
    %slice3A_389 = vector.extract_strided_slice %dot_general3A_245 {offsets = [0, 1408], sizes = [256, 128], strides = [1, 1]} : vector<256x2048xf32> to vector<256x128xf32>
    %sub3A_390 = vector.broadcast %broadcast_in_dim3A : vector<256x1xf32> to vector<256x128xf32>
    %sub3A_391 = arith.subf %sub3A_390, %slice3A_389 : vector<256x128xf32>
    %get3A_392 = arith.constant 0 : index
    %get3A_393 = arith.constant 3456 : index
    %get3A_394 = vector.load %arg9[%get3A_392, %get3A_393] : memref<1x8192xf32, #tpu.memory_space<vmem>>, vector<1x128xf32>
    %add3A_395 = vector.broadcast %get3A_394 : vector<1x128xf32> to vector<256x128xf32>
    %add3A_396 = arith.addf %sub3A_391, %add3A_395 : vector<256x128xf32>
    %lt3A_397 = arith.cmpf olt, %add3A_396, %select_n3A_385 : vector<256x128xf32>
    %select_n3A_398 = arith.select %lt3A_397, %add3A_396, %select_n3A_385 : vector<256x128xi1>, vector<256x128xf32>
    %jit3A_399 = arith.constant 3456 : i32
    %broadcast_in_dim3A_400 = vector.broadcast %jit3A_399 : i32 to vector<256x128xi32>
    %select_n3A_401 = arith.select %lt3A_397, %broadcast_in_dim3A_400, %select_n3A_388 : vector<256x128xi1>, vector<256x128xi32>
    %slice3A_402 = vector.extract_strided_slice %dot_general3A_245 {offsets = [0, 1536], sizes = [256, 128], strides = [1, 1]} : vector<256x2048xf32> to vector<256x128xf32>
    %sub3A_403 = vector.broadcast %broadcast_in_dim3A : vector<256x1xf32> to vector<256x128xf32>
    %sub3A_404 = arith.subf %sub3A_403, %slice3A_402 : vector<256x128xf32>
    %get3A_405 = arith.constant 0 : index
    %get3A_406 = arith.constant 3584 : index
    %get3A_407 = vector.load %arg9[%get3A_405, %get3A_406] : memref<1x8192xf32, #tpu.memory_space<vmem>>, vector<1x128xf32>
    %add3A_408 = vector.broadcast %get3A_407 : vector<1x128xf32> to vector<256x128xf32>
    %add3A_409 = arith.addf %sub3A_404, %add3A_408 : vector<256x128xf32>
    %lt3A_410 = arith.cmpf olt, %add3A_409, %select_n3A_398 : vector<256x128xf32>
    %select_n3A_411 = arith.select %lt3A_410, %add3A_409, %select_n3A_398 : vector<256x128xi1>, vector<256x128xf32>
    %jit3A_412 = arith.constant 3584 : i32
    %broadcast_in_dim3A_413 = vector.broadcast %jit3A_412 : i32 to vector<256x128xi32>
    %select_n3A_414 = arith.select %lt3A_410, %broadcast_in_dim3A_413, %select_n3A_401 : vector<256x128xi1>, vector<256x128xi32>
    %slice3A_415 = vector.extract_strided_slice %dot_general3A_245 {offsets = [0, 1664], sizes = [256, 128], strides = [1, 1]} : vector<256x2048xf32> to vector<256x128xf32>
    %sub3A_416 = vector.broadcast %broadcast_in_dim3A : vector<256x1xf32> to vector<256x128xf32>
    %sub3A_417 = arith.subf %sub3A_416, %slice3A_415 : vector<256x128xf32>
    %get3A_418 = arith.constant 0 : index
    %get3A_419 = arith.constant 3712 : index
    %get3A_420 = vector.load %arg9[%get3A_418, %get3A_419] : memref<1x8192xf32, #tpu.memory_space<vmem>>, vector<1x128xf32>
    %add3A_421 = vector.broadcast %get3A_420 : vector<1x128xf32> to vector<256x128xf32>
    %add3A_422 = arith.addf %sub3A_417, %add3A_421 : vector<256x128xf32>
    %lt3A_423 = arith.cmpf olt, %add3A_422, %select_n3A_411 : vector<256x128xf32>
    %select_n3A_424 = arith.select %lt3A_423, %add3A_422, %select_n3A_411 : vector<256x128xi1>, vector<256x128xf32>
    %jit3A_425 = arith.constant 3712 : i32
    %broadcast_in_dim3A_426 = vector.broadcast %jit3A_425 : i32 to vector<256x128xi32>
    %select_n3A_427 = arith.select %lt3A_423, %broadcast_in_dim3A_426, %select_n3A_414 : vector<256x128xi1>, vector<256x128xi32>
    %slice3A_428 = vector.extract_strided_slice %dot_general3A_245 {offsets = [0, 1792], sizes = [256, 128], strides = [1, 1]} : vector<256x2048xf32> to vector<256x128xf32>
    %sub3A_429 = vector.broadcast %broadcast_in_dim3A : vector<256x1xf32> to vector<256x128xf32>
    %sub3A_430 = arith.subf %sub3A_429, %slice3A_428 : vector<256x128xf32>
    %get3A_431 = arith.constant 0 : index
    %get3A_432 = arith.constant 3840 : index
    %get3A_433 = vector.load %arg9[%get3A_431, %get3A_432] : memref<1x8192xf32, #tpu.memory_space<vmem>>, vector<1x128xf32>
    %add3A_434 = vector.broadcast %get3A_433 : vector<1x128xf32> to vector<256x128xf32>
    %add3A_435 = arith.addf %sub3A_430, %add3A_434 : vector<256x128xf32>
    %lt3A_436 = arith.cmpf olt, %add3A_435, %select_n3A_424 : vector<256x128xf32>
    %select_n3A_437 = arith.select %lt3A_436, %add3A_435, %select_n3A_424 : vector<256x128xi1>, vector<256x128xf32>
    %jit3A_438 = arith.constant 3840 : i32
    %broadcast_in_dim3A_439 = vector.broadcast %jit3A_438 : i32 to vector<256x128xi32>
    %select_n3A_440 = arith.select %lt3A_436, %broadcast_in_dim3A_439, %select_n3A_427 : vector<256x128xi1>, vector<256x128xi32>
    %slice3A_441 = vector.extract_strided_slice %dot_general3A_245 {offsets = [0, 1920], sizes = [256, 128], strides = [1, 1]} : vector<256x2048xf32> to vector<256x128xf32>
    %sub3A_442 = vector.broadcast %broadcast_in_dim3A : vector<256x1xf32> to vector<256x128xf32>
    %sub3A_443 = arith.subf %sub3A_442, %slice3A_441 : vector<256x128xf32>
    %get3A_444 = arith.constant 0 : index
    %get3A_445 = arith.constant 3968 : index
    %get3A_446 = vector.load %arg9[%get3A_444, %get3A_445] : memref<1x8192xf32, #tpu.memory_space<vmem>>, vector<1x128xf32>
    %add3A_447 = vector.broadcast %get3A_446 : vector<1x128xf32> to vector<256x128xf32>
    %add3A_448 = arith.addf %sub3A_443, %add3A_447 : vector<256x128xf32>
    %lt3A_449 = arith.cmpf olt, %add3A_448, %select_n3A_437 : vector<256x128xf32>
    %select_n3A_450 = arith.select %lt3A_449, %add3A_448, %select_n3A_437 : vector<256x128xi1>, vector<256x128xf32>
    %jit3A_451 = arith.constant 3968 : i32
    %broadcast_in_dim3A_452 = vector.broadcast %jit3A_451 : i32 to vector<256x128xi32>
    %select_n3A_453 = arith.select %lt3A_449, %broadcast_in_dim3A_452, %select_n3A_440 : vector<256x128xi1>, vector<256x128xi32>
    %get3A_454 = arith.constant 4096 : index
    %get3A_455 = arith.constant 0 : index
    %get3A_456 = vector.load %arg6[%get3A_454, %get3A_455] : memref<8192x32xf32, #tpu.memory_space<vmem>>, vector<2048x32xf32>
    %add3A_457 = arith.addf %get3A_456, %get3A_456 : vector<2048x32xf32>
    %dot_general3A_458 = arith.constant dense<0.000000e+00> : vector<256x2048xf32>
    %dot_general3A_459 = tpu.matmul %add3A_23, %add3A_457, %dot_general3A_458 {dimension_numbers = #tpu.dot_dimension_numbers<[1], [1], [0], [0], [0, 0, 1, 0], [], []>, transpose_lhs_hint = false} : vector<256x32xf32>, vector<2048x32xf32>, vector<256x2048xf32> -> vector<256x2048xf32>
    %slice3A_460 = vector.extract_strided_slice %dot_general3A_459 {offsets = [0, 0], sizes = [256, 128], strides = [1, 1]} : vector<256x2048xf32> to vector<256x128xf32>
    %sub3A_461 = vector.broadcast %broadcast_in_dim3A : vector<256x1xf32> to vector<256x128xf32>
    %sub3A_462 = arith.subf %sub3A_461, %slice3A_460 : vector<256x128xf32>
    %get3A_463 = arith.constant 0 : index
    %get3A_464 = arith.constant 4096 : index
    %get3A_465 = vector.load %arg9[%get3A_463, %get3A_464] : memref<1x8192xf32, #tpu.memory_space<vmem>>, vector<1x128xf32>
    %add3A_466 = vector.broadcast %get3A_465 : vector<1x128xf32> to vector<256x128xf32>
    %add3A_467 = arith.addf %sub3A_462, %add3A_466 : vector<256x128xf32>
    %lt3A_468 = arith.cmpf olt, %add3A_467, %select_n3A_450 : vector<256x128xf32>
    %select_n3A_469 = arith.select %lt3A_468, %add3A_467, %select_n3A_450 : vector<256x128xi1>, vector<256x128xf32>
    %jit3A_470 = arith.constant 4096 : i32
    %broadcast_in_dim3A_471 = vector.broadcast %jit3A_470 : i32 to vector<256x128xi32>
    %select_n3A_472 = arith.select %lt3A_468, %broadcast_in_dim3A_471, %select_n3A_453 : vector<256x128xi1>, vector<256x128xi32>
    %slice3A_473 = vector.extract_strided_slice %dot_general3A_459 {offsets = [0, 128], sizes = [256, 128], strides = [1, 1]} : vector<256x2048xf32> to vector<256x128xf32>
    %sub3A_474 = vector.broadcast %broadcast_in_dim3A : vector<256x1xf32> to vector<256x128xf32>
    %sub3A_475 = arith.subf %sub3A_474, %slice3A_473 : vector<256x128xf32>
    %get3A_476 = arith.constant 0 : index
    %get3A_477 = arith.constant 4224 : index
    %get3A_478 = vector.load %arg9[%get3A_476, %get3A_477] : memref<1x8192xf32, #tpu.memory_space<vmem>>, vector<1x128xf32>
    %add3A_479 = vector.broadcast %get3A_478 : vector<1x128xf32> to vector<256x128xf32>
    %add3A_480 = arith.addf %sub3A_475, %add3A_479 : vector<256x128xf32>
    %lt3A_481 = arith.cmpf olt, %add3A_480, %select_n3A_469 : vector<256x128xf32>
    %select_n3A_482 = arith.select %lt3A_481, %add3A_480, %select_n3A_469 : vector<256x128xi1>, vector<256x128xf32>
    %jit3A_483 = arith.constant 4224 : i32
    %broadcast_in_dim3A_484 = vector.broadcast %jit3A_483 : i32 to vector<256x128xi32>
    %select_n3A_485 = arith.select %lt3A_481, %broadcast_in_dim3A_484, %select_n3A_472 : vector<256x128xi1>, vector<256x128xi32>
    %slice3A_486 = vector.extract_strided_slice %dot_general3A_459 {offsets = [0, 256], sizes = [256, 128], strides = [1, 1]} : vector<256x2048xf32> to vector<256x128xf32>
    %sub3A_487 = vector.broadcast %broadcast_in_dim3A : vector<256x1xf32> to vector<256x128xf32>
    %sub3A_488 = arith.subf %sub3A_487, %slice3A_486 : vector<256x128xf32>
    %get3A_489 = arith.constant 0 : index
    %get3A_490 = arith.constant 4352 : index
    %get3A_491 = vector.load %arg9[%get3A_489, %get3A_490] : memref<1x8192xf32, #tpu.memory_space<vmem>>, vector<1x128xf32>
    %add3A_492 = vector.broadcast %get3A_491 : vector<1x128xf32> to vector<256x128xf32>
    %add3A_493 = arith.addf %sub3A_488, %add3A_492 : vector<256x128xf32>
    %lt3A_494 = arith.cmpf olt, %add3A_493, %select_n3A_482 : vector<256x128xf32>
    %select_n3A_495 = arith.select %lt3A_494, %add3A_493, %select_n3A_482 : vector<256x128xi1>, vector<256x128xf32>
    %jit3A_496 = arith.constant 4352 : i32
    %broadcast_in_dim3A_497 = vector.broadcast %jit3A_496 : i32 to vector<256x128xi32>
    %select_n3A_498 = arith.select %lt3A_494, %broadcast_in_dim3A_497, %select_n3A_485 : vector<256x128xi1>, vector<256x128xi32>
    %slice3A_499 = vector.extract_strided_slice %dot_general3A_459 {offsets = [0, 384], sizes = [256, 128], strides = [1, 1]} : vector<256x2048xf32> to vector<256x128xf32>
    %sub3A_500 = vector.broadcast %broadcast_in_dim3A : vector<256x1xf32> to vector<256x128xf32>
    %sub3A_501 = arith.subf %sub3A_500, %slice3A_499 : vector<256x128xf32>
    %get3A_502 = arith.constant 0 : index
    %get3A_503 = arith.constant 4480 : index
    %get3A_504 = vector.load %arg9[%get3A_502, %get3A_503] : memref<1x8192xf32, #tpu.memory_space<vmem>>, vector<1x128xf32>
    %add3A_505 = vector.broadcast %get3A_504 : vector<1x128xf32> to vector<256x128xf32>
    %add3A_506 = arith.addf %sub3A_501, %add3A_505 : vector<256x128xf32>
    %lt3A_507 = arith.cmpf olt, %add3A_506, %select_n3A_495 : vector<256x128xf32>
    %select_n3A_508 = arith.select %lt3A_507, %add3A_506, %select_n3A_495 : vector<256x128xi1>, vector<256x128xf32>
    %jit3A_509 = arith.constant 4480 : i32
    %broadcast_in_dim3A_510 = vector.broadcast %jit3A_509 : i32 to vector<256x128xi32>
    %select_n3A_511 = arith.select %lt3A_507, %broadcast_in_dim3A_510, %select_n3A_498 : vector<256x128xi1>, vector<256x128xi32>
    %slice3A_512 = vector.extract_strided_slice %dot_general3A_459 {offsets = [0, 512], sizes = [256, 128], strides = [1, 1]} : vector<256x2048xf32> to vector<256x128xf32>
    %sub3A_513 = vector.broadcast %broadcast_in_dim3A : vector<256x1xf32> to vector<256x128xf32>
    %sub3A_514 = arith.subf %sub3A_513, %slice3A_512 : vector<256x128xf32>
    %get3A_515 = arith.constant 0 : index
    %get3A_516 = arith.constant 4608 : index
    %get3A_517 = vector.load %arg9[%get3A_515, %get3A_516] : memref<1x8192xf32, #tpu.memory_space<vmem>>, vector<1x128xf32>
    %add3A_518 = vector.broadcast %get3A_517 : vector<1x128xf32> to vector<256x128xf32>
    %add3A_519 = arith.addf %sub3A_514, %add3A_518 : vector<256x128xf32>
    %lt3A_520 = arith.cmpf olt, %add3A_519, %select_n3A_508 : vector<256x128xf32>
    %select_n3A_521 = arith.select %lt3A_520, %add3A_519, %select_n3A_508 : vector<256x128xi1>, vector<256x128xf32>
    %jit3A_522 = arith.constant 4608 : i32
    %broadcast_in_dim3A_523 = vector.broadcast %jit3A_522 : i32 to vector<256x128xi32>
    %select_n3A_524 = arith.select %lt3A_520, %broadcast_in_dim3A_523, %select_n3A_511 : vector<256x128xi1>, vector<256x128xi32>
    %slice3A_525 = vector.extract_strided_slice %dot_general3A_459 {offsets = [0, 640], sizes = [256, 128], strides = [1, 1]} : vector<256x2048xf32> to vector<256x128xf32>
    %sub3A_526 = vector.broadcast %broadcast_in_dim3A : vector<256x1xf32> to vector<256x128xf32>
    %sub3A_527 = arith.subf %sub3A_526, %slice3A_525 : vector<256x128xf32>
    %get3A_528 = arith.constant 0 : index
    %get3A_529 = arith.constant 4736 : index
    %get3A_530 = vector.load %arg9[%get3A_528, %get3A_529] : memref<1x8192xf32, #tpu.memory_space<vmem>>, vector<1x128xf32>
    %add3A_531 = vector.broadcast %get3A_530 : vector<1x128xf32> to vector<256x128xf32>
    %add3A_532 = arith.addf %sub3A_527, %add3A_531 : vector<256x128xf32>
    %lt3A_533 = arith.cmpf olt, %add3A_532, %select_n3A_521 : vector<256x128xf32>
    %select_n3A_534 = arith.select %lt3A_533, %add3A_532, %select_n3A_521 : vector<256x128xi1>, vector<256x128xf32>
    %jit3A_535 = arith.constant 4736 : i32
    %broadcast_in_dim3A_536 = vector.broadcast %jit3A_535 : i32 to vector<256x128xi32>
    %select_n3A_537 = arith.select %lt3A_533, %broadcast_in_dim3A_536, %select_n3A_524 : vector<256x128xi1>, vector<256x128xi32>
    %slice3A_538 = vector.extract_strided_slice %dot_general3A_459 {offsets = [0, 768], sizes = [256, 128], strides = [1, 1]} : vector<256x2048xf32> to vector<256x128xf32>
    %sub3A_539 = vector.broadcast %broadcast_in_dim3A : vector<256x1xf32> to vector<256x128xf32>
    %sub3A_540 = arith.subf %sub3A_539, %slice3A_538 : vector<256x128xf32>
    %get3A_541 = arith.constant 0 : index
    %get3A_542 = arith.constant 4864 : index
    %get3A_543 = vector.load %arg9[%get3A_541, %get3A_542] : memref<1x8192xf32, #tpu.memory_space<vmem>>, vector<1x128xf32>
    %add3A_544 = vector.broadcast %get3A_543 : vector<1x128xf32> to vector<256x128xf32>
    %add3A_545 = arith.addf %sub3A_540, %add3A_544 : vector<256x128xf32>
    %lt3A_546 = arith.cmpf olt, %add3A_545, %select_n3A_534 : vector<256x128xf32>
    %select_n3A_547 = arith.select %lt3A_546, %add3A_545, %select_n3A_534 : vector<256x128xi1>, vector<256x128xf32>
    %jit3A_548 = arith.constant 4864 : i32
    %broadcast_in_dim3A_549 = vector.broadcast %jit3A_548 : i32 to vector<256x128xi32>
    %select_n3A_550 = arith.select %lt3A_546, %broadcast_in_dim3A_549, %select_n3A_537 : vector<256x128xi1>, vector<256x128xi32>
    %slice3A_551 = vector.extract_strided_slice %dot_general3A_459 {offsets = [0, 896], sizes = [256, 128], strides = [1, 1]} : vector<256x2048xf32> to vector<256x128xf32>
    %sub3A_552 = vector.broadcast %broadcast_in_dim3A : vector<256x1xf32> to vector<256x128xf32>
    %sub3A_553 = arith.subf %sub3A_552, %slice3A_551 : vector<256x128xf32>
    %get3A_554 = arith.constant 0 : index
    %get3A_555 = arith.constant 4992 : index
    %get3A_556 = vector.load %arg9[%get3A_554, %get3A_555] : memref<1x8192xf32, #tpu.memory_space<vmem>>, vector<1x128xf32>
    %add3A_557 = vector.broadcast %get3A_556 : vector<1x128xf32> to vector<256x128xf32>
    %add3A_558 = arith.addf %sub3A_553, %add3A_557 : vector<256x128xf32>
    %lt3A_559 = arith.cmpf olt, %add3A_558, %select_n3A_547 : vector<256x128xf32>
    %select_n3A_560 = arith.select %lt3A_559, %add3A_558, %select_n3A_547 : vector<256x128xi1>, vector<256x128xf32>
    %jit3A_561 = arith.constant 4992 : i32
    %broadcast_in_dim3A_562 = vector.broadcast %jit3A_561 : i32 to vector<256x128xi32>
    %select_n3A_563 = arith.select %lt3A_559, %broadcast_in_dim3A_562, %select_n3A_550 : vector<256x128xi1>, vector<256x128xi32>
    %slice3A_564 = vector.extract_strided_slice %dot_general3A_459 {offsets = [0, 1024], sizes = [256, 128], strides = [1, 1]} : vector<256x2048xf32> to vector<256x128xf32>
    %sub3A_565 = vector.broadcast %broadcast_in_dim3A : vector<256x1xf32> to vector<256x128xf32>
    %sub3A_566 = arith.subf %sub3A_565, %slice3A_564 : vector<256x128xf32>
    %get3A_567 = arith.constant 0 : index
    %get3A_568 = arith.constant 5120 : index
    %get3A_569 = vector.load %arg9[%get3A_567, %get3A_568] : memref<1x8192xf32, #tpu.memory_space<vmem>>, vector<1x128xf32>
    %add3A_570 = vector.broadcast %get3A_569 : vector<1x128xf32> to vector<256x128xf32>
    %add3A_571 = arith.addf %sub3A_566, %add3A_570 : vector<256x128xf32>
    %lt3A_572 = arith.cmpf olt, %add3A_571, %select_n3A_560 : vector<256x128xf32>
    %select_n3A_573 = arith.select %lt3A_572, %add3A_571, %select_n3A_560 : vector<256x128xi1>, vector<256x128xf32>
    %jit3A_574 = arith.constant 5120 : i32
    %broadcast_in_dim3A_575 = vector.broadcast %jit3A_574 : i32 to vector<256x128xi32>
    %select_n3A_576 = arith.select %lt3A_572, %broadcast_in_dim3A_575, %select_n3A_563 : vector<256x128xi1>, vector<256x128xi32>
    %slice3A_577 = vector.extract_strided_slice %dot_general3A_459 {offsets = [0, 1152], sizes = [256, 128], strides = [1, 1]} : vector<256x2048xf32> to vector<256x128xf32>
    %sub3A_578 = vector.broadcast %broadcast_in_dim3A : vector<256x1xf32> to vector<256x128xf32>
    %sub3A_579 = arith.subf %sub3A_578, %slice3A_577 : vector<256x128xf32>
    %get3A_580 = arith.constant 0 : index
    %get3A_581 = arith.constant 5248 : index
    %get3A_582 = vector.load %arg9[%get3A_580, %get3A_581] : memref<1x8192xf32, #tpu.memory_space<vmem>>, vector<1x128xf32>
    %add3A_583 = vector.broadcast %get3A_582 : vector<1x128xf32> to vector<256x128xf32>
    %add3A_584 = arith.addf %sub3A_579, %add3A_583 : vector<256x128xf32>
    %lt3A_585 = arith.cmpf olt, %add3A_584, %select_n3A_573 : vector<256x128xf32>
    %select_n3A_586 = arith.select %lt3A_585, %add3A_584, %select_n3A_573 : vector<256x128xi1>, vector<256x128xf32>
    %jit3A_587 = arith.constant 5248 : i32
    %broadcast_in_dim3A_588 = vector.broadcast %jit3A_587 : i32 to vector<256x128xi32>
    %select_n3A_589 = arith.select %lt3A_585, %broadcast_in_dim3A_588, %select_n3A_576 : vector<256x128xi1>, vector<256x128xi32>
    %slice3A_590 = vector.extract_strided_slice %dot_general3A_459 {offsets = [0, 1280], sizes = [256, 128], strides = [1, 1]} : vector<256x2048xf32> to vector<256x128xf32>
    %sub3A_591 = vector.broadcast %broadcast_in_dim3A : vector<256x1xf32> to vector<256x128xf32>
    %sub3A_592 = arith.subf %sub3A_591, %slice3A_590 : vector<256x128xf32>
    %get3A_593 = arith.constant 0 : index
    %get3A_594 = arith.constant 5376 : index
    %get3A_595 = vector.load %arg9[%get3A_593, %get3A_594] : memref<1x8192xf32, #tpu.memory_space<vmem>>, vector<1x128xf32>
    %add3A_596 = vector.broadcast %get3A_595 : vector<1x128xf32> to vector<256x128xf32>
    %add3A_597 = arith.addf %sub3A_592, %add3A_596 : vector<256x128xf32>
    %lt3A_598 = arith.cmpf olt, %add3A_597, %select_n3A_586 : vector<256x128xf32>
    %select_n3A_599 = arith.select %lt3A_598, %add3A_597, %select_n3A_586 : vector<256x128xi1>, vector<256x128xf32>
    %jit3A_600 = arith.constant 5376 : i32
    %broadcast_in_dim3A_601 = vector.broadcast %jit3A_600 : i32 to vector<256x128xi32>
    %select_n3A_602 = arith.select %lt3A_598, %broadcast_in_dim3A_601, %select_n3A_589 : vector<256x128xi1>, vector<256x128xi32>
    %slice3A_603 = vector.extract_strided_slice %dot_general3A_459 {offsets = [0, 1408], sizes = [256, 128], strides = [1, 1]} : vector<256x2048xf32> to vector<256x128xf32>
    %sub3A_604 = vector.broadcast %broadcast_in_dim3A : vector<256x1xf32> to vector<256x128xf32>
    %sub3A_605 = arith.subf %sub3A_604, %slice3A_603 : vector<256x128xf32>
    %get3A_606 = arith.constant 0 : index
    %get3A_607 = arith.constant 5504 : index
    %get3A_608 = vector.load %arg9[%get3A_606, %get3A_607] : memref<1x8192xf32, #tpu.memory_space<vmem>>, vector<1x128xf32>
    %add3A_609 = vector.broadcast %get3A_608 : vector<1x128xf32> to vector<256x128xf32>
    %add3A_610 = arith.addf %sub3A_605, %add3A_609 : vector<256x128xf32>
    %lt3A_611 = arith.cmpf olt, %add3A_610, %select_n3A_599 : vector<256x128xf32>
    %select_n3A_612 = arith.select %lt3A_611, %add3A_610, %select_n3A_599 : vector<256x128xi1>, vector<256x128xf32>
    %jit3A_613 = arith.constant 5504 : i32
    %broadcast_in_dim3A_614 = vector.broadcast %jit3A_613 : i32 to vector<256x128xi32>
    %select_n3A_615 = arith.select %lt3A_611, %broadcast_in_dim3A_614, %select_n3A_602 : vector<256x128xi1>, vector<256x128xi32>
    %slice3A_616 = vector.extract_strided_slice %dot_general3A_459 {offsets = [0, 1536], sizes = [256, 128], strides = [1, 1]} : vector<256x2048xf32> to vector<256x128xf32>
    %sub3A_617 = vector.broadcast %broadcast_in_dim3A : vector<256x1xf32> to vector<256x128xf32>
    %sub3A_618 = arith.subf %sub3A_617, %slice3A_616 : vector<256x128xf32>
    %get3A_619 = arith.constant 0 : index
    %get3A_620 = arith.constant 5632 : index
    %get3A_621 = vector.load %arg9[%get3A_619, %get3A_620] : memref<1x8192xf32, #tpu.memory_space<vmem>>, vector<1x128xf32>
    %add3A_622 = vector.broadcast %get3A_621 : vector<1x128xf32> to vector<256x128xf32>
    %add3A_623 = arith.addf %sub3A_618, %add3A_622 : vector<256x128xf32>
    %lt3A_624 = arith.cmpf olt, %add3A_623, %select_n3A_612 : vector<256x128xf32>
    %select_n3A_625 = arith.select %lt3A_624, %add3A_623, %select_n3A_612 : vector<256x128xi1>, vector<256x128xf32>
    %jit3A_626 = arith.constant 5632 : i32
    %broadcast_in_dim3A_627 = vector.broadcast %jit3A_626 : i32 to vector<256x128xi32>
    %select_n3A_628 = arith.select %lt3A_624, %broadcast_in_dim3A_627, %select_n3A_615 : vector<256x128xi1>, vector<256x128xi32>
    %slice3A_629 = vector.extract_strided_slice %dot_general3A_459 {offsets = [0, 1664], sizes = [256, 128], strides = [1, 1]} : vector<256x2048xf32> to vector<256x128xf32>
    %sub3A_630 = vector.broadcast %broadcast_in_dim3A : vector<256x1xf32> to vector<256x128xf32>
    %sub3A_631 = arith.subf %sub3A_630, %slice3A_629 : vector<256x128xf32>
    %get3A_632 = arith.constant 0 : index
    %get3A_633 = arith.constant 5760 : index
    %get3A_634 = vector.load %arg9[%get3A_632, %get3A_633] : memref<1x8192xf32, #tpu.memory_space<vmem>>, vector<1x128xf32>
    %add3A_635 = vector.broadcast %get3A_634 : vector<1x128xf32> to vector<256x128xf32>
    %add3A_636 = arith.addf %sub3A_631, %add3A_635 : vector<256x128xf32>
    %lt3A_637 = arith.cmpf olt, %add3A_636, %select_n3A_625 : vector<256x128xf32>
    %select_n3A_638 = arith.select %lt3A_637, %add3A_636, %select_n3A_625 : vector<256x128xi1>, vector<256x128xf32>
    %jit3A_639 = arith.constant 5760 : i32
    %broadcast_in_dim3A_640 = vector.broadcast %jit3A_639 : i32 to vector<256x128xi32>
    %select_n3A_641 = arith.select %lt3A_637, %broadcast_in_dim3A_640, %select_n3A_628 : vector<256x128xi1>, vector<256x128xi32>
    %slice3A_642 = vector.extract_strided_slice %dot_general3A_459 {offsets = [0, 1792], sizes = [256, 128], strides = [1, 1]} : vector<256x2048xf32> to vector<256x128xf32>
    %sub3A_643 = vector.broadcast %broadcast_in_dim3A : vector<256x1xf32> to vector<256x128xf32>
    %sub3A_644 = arith.subf %sub3A_643, %slice3A_642 : vector<256x128xf32>
    %get3A_645 = arith.constant 0 : index
    %get3A_646 = arith.constant 5888 : index
    %get3A_647 = vector.load %arg9[%get3A_645, %get3A_646] : memref<1x8192xf32, #tpu.memory_space<vmem>>, vector<1x128xf32>
    %add3A_648 = vector.broadcast %get3A_647 : vector<1x128xf32> to vector<256x128xf32>
    %add3A_649 = arith.addf %sub3A_644, %add3A_648 : vector<256x128xf32>
    %lt3A_650 = arith.cmpf olt, %add3A_649, %select_n3A_638 : vector<256x128xf32>
    %select_n3A_651 = arith.select %lt3A_650, %add3A_649, %select_n3A_638 : vector<256x128xi1>, vector<256x128xf32>
    %jit3A_652 = arith.constant 5888 : i32
    %broadcast_in_dim3A_653 = vector.broadcast %jit3A_652 : i32 to vector<256x128xi32>
    %select_n3A_654 = arith.select %lt3A_650, %broadcast_in_dim3A_653, %select_n3A_641 : vector<256x128xi1>, vector<256x128xi32>
    %slice3A_655 = vector.extract_strided_slice %dot_general3A_459 {offsets = [0, 1920], sizes = [256, 128], strides = [1, 1]} : vector<256x2048xf32> to vector<256x128xf32>
    %sub3A_656 = vector.broadcast %broadcast_in_dim3A : vector<256x1xf32> to vector<256x128xf32>
    %sub3A_657 = arith.subf %sub3A_656, %slice3A_655 : vector<256x128xf32>
    %get3A_658 = arith.constant 0 : index
    %get3A_659 = arith.constant 6016 : index
    %get3A_660 = vector.load %arg9[%get3A_658, %get3A_659] : memref<1x8192xf32, #tpu.memory_space<vmem>>, vector<1x128xf32>
    %add3A_661 = vector.broadcast %get3A_660 : vector<1x128xf32> to vector<256x128xf32>
    %add3A_662 = arith.addf %sub3A_657, %add3A_661 : vector<256x128xf32>
    %lt3A_663 = arith.cmpf olt, %add3A_662, %select_n3A_651 : vector<256x128xf32>
    %select_n3A_664 = arith.select %lt3A_663, %add3A_662, %select_n3A_651 : vector<256x128xi1>, vector<256x128xf32>
    %jit3A_665 = arith.constant 6016 : i32
    %broadcast_in_dim3A_666 = vector.broadcast %jit3A_665 : i32 to vector<256x128xi32>
    %select_n3A_667 = arith.select %lt3A_663, %broadcast_in_dim3A_666, %select_n3A_654 : vector<256x128xi1>, vector<256x128xi32>
    %get3A_668 = arith.constant 6144 : index
    %get3A_669 = arith.constant 0 : index
    %get3A_670 = vector.load %arg6[%get3A_668, %get3A_669] : memref<8192x32xf32, #tpu.memory_space<vmem>>, vector<2048x32xf32>
    %add3A_671 = arith.addf %get3A_670, %get3A_670 : vector<2048x32xf32>
    %dot_general3A_672 = arith.constant dense<0.000000e+00> : vector<256x2048xf32>
    %dot_general3A_673 = tpu.matmul %add3A_23, %add3A_671, %dot_general3A_672 {dimension_numbers = #tpu.dot_dimension_numbers<[1], [1], [0], [0], [0, 0, 1, 0], [], []>, transpose_lhs_hint = false} : vector<256x32xf32>, vector<2048x32xf32>, vector<256x2048xf32> -> vector<256x2048xf32>
    %slice3A_674 = vector.extract_strided_slice %dot_general3A_673 {offsets = [0, 0], sizes = [256, 128], strides = [1, 1]} : vector<256x2048xf32> to vector<256x128xf32>
    %sub3A_675 = vector.broadcast %broadcast_in_dim3A : vector<256x1xf32> to vector<256x128xf32>
    %sub3A_676 = arith.subf %sub3A_675, %slice3A_674 : vector<256x128xf32>
    %get3A_677 = arith.constant 0 : index
    %get3A_678 = arith.constant 6144 : index
    %get3A_679 = vector.load %arg9[%get3A_677, %get3A_678] : memref<1x8192xf32, #tpu.memory_space<vmem>>, vector<1x128xf32>
    %add3A_680 = vector.broadcast %get3A_679 : vector<1x128xf32> to vector<256x128xf32>
    %add3A_681 = arith.addf %sub3A_676, %add3A_680 : vector<256x128xf32>
    %lt3A_682 = arith.cmpf olt, %add3A_681, %select_n3A_664 : vector<256x128xf32>
    %select_n3A_683 = arith.select %lt3A_682, %add3A_681, %select_n3A_664 : vector<256x128xi1>, vector<256x128xf32>
    %jit3A_684 = arith.constant 6144 : i32
    %broadcast_in_dim3A_685 = vector.broadcast %jit3A_684 : i32 to vector<256x128xi32>
    %select_n3A_686 = arith.select %lt3A_682, %broadcast_in_dim3A_685, %select_n3A_667 : vector<256x128xi1>, vector<256x128xi32>
    %slice3A_687 = vector.extract_strided_slice %dot_general3A_673 {offsets = [0, 128], sizes = [256, 128], strides = [1, 1]} : vector<256x2048xf32> to vector<256x128xf32>
    %sub3A_688 = vector.broadcast %broadcast_in_dim3A : vector<256x1xf32> to vector<256x128xf32>
    %sub3A_689 = arith.subf %sub3A_688, %slice3A_687 : vector<256x128xf32>
    %get3A_690 = arith.constant 0 : index
    %get3A_691 = arith.constant 6272 : index
    %get3A_692 = vector.load %arg9[%get3A_690, %get3A_691] : memref<1x8192xf32, #tpu.memory_space<vmem>>, vector<1x128xf32>
    %add3A_693 = vector.broadcast %get3A_692 : vector<1x128xf32> to vector<256x128xf32>
    %add3A_694 = arith.addf %sub3A_689, %add3A_693 : vector<256x128xf32>
    %lt3A_695 = arith.cmpf olt, %add3A_694, %select_n3A_683 : vector<256x128xf32>
    %select_n3A_696 = arith.select %lt3A_695, %add3A_694, %select_n3A_683 : vector<256x128xi1>, vector<256x128xf32>
    %jit3A_697 = arith.constant 6272 : i32
    %broadcast_in_dim3A_698 = vector.broadcast %jit3A_697 : i32 to vector<256x128xi32>
    %select_n3A_699 = arith.select %lt3A_695, %broadcast_in_dim3A_698, %select_n3A_686 : vector<256x128xi1>, vector<256x128xi32>
    %slice3A_700 = vector.extract_strided_slice %dot_general3A_673 {offsets = [0, 256], sizes = [256, 128], strides = [1, 1]} : vector<256x2048xf32> to vector<256x128xf32>
    %sub3A_701 = vector.broadcast %broadcast_in_dim3A : vector<256x1xf32> to vector<256x128xf32>
    %sub3A_702 = arith.subf %sub3A_701, %slice3A_700 : vector<256x128xf32>
    %get3A_703 = arith.constant 0 : index
    %get3A_704 = arith.constant 6400 : index
    %get3A_705 = vector.load %arg9[%get3A_703, %get3A_704] : memref<1x8192xf32, #tpu.memory_space<vmem>>, vector<1x128xf32>
    %add3A_706 = vector.broadcast %get3A_705 : vector<1x128xf32> to vector<256x128xf32>
    %add3A_707 = arith.addf %sub3A_702, %add3A_706 : vector<256x128xf32>
    %lt3A_708 = arith.cmpf olt, %add3A_707, %select_n3A_696 : vector<256x128xf32>
    %select_n3A_709 = arith.select %lt3A_708, %add3A_707, %select_n3A_696 : vector<256x128xi1>, vector<256x128xf32>
    %jit3A_710 = arith.constant 6400 : i32
    %broadcast_in_dim3A_711 = vector.broadcast %jit3A_710 : i32 to vector<256x128xi32>
    %select_n3A_712 = arith.select %lt3A_708, %broadcast_in_dim3A_711, %select_n3A_699 : vector<256x128xi1>, vector<256x128xi32>
    %slice3A_713 = vector.extract_strided_slice %dot_general3A_673 {offsets = [0, 384], sizes = [256, 128], strides = [1, 1]} : vector<256x2048xf32> to vector<256x128xf32>
    %sub3A_714 = vector.broadcast %broadcast_in_dim3A : vector<256x1xf32> to vector<256x128xf32>
    %sub3A_715 = arith.subf %sub3A_714, %slice3A_713 : vector<256x128xf32>
    %get3A_716 = arith.constant 0 : index
    %get3A_717 = arith.constant 6528 : index
    %get3A_718 = vector.load %arg9[%get3A_716, %get3A_717] : memref<1x8192xf32, #tpu.memory_space<vmem>>, vector<1x128xf32>
    %add3A_719 = vector.broadcast %get3A_718 : vector<1x128xf32> to vector<256x128xf32>
    %add3A_720 = arith.addf %sub3A_715, %add3A_719 : vector<256x128xf32>
    %lt3A_721 = arith.cmpf olt, %add3A_720, %select_n3A_709 : vector<256x128xf32>
    %select_n3A_722 = arith.select %lt3A_721, %add3A_720, %select_n3A_709 : vector<256x128xi1>, vector<256x128xf32>
    %jit3A_723 = arith.constant 6528 : i32
    %broadcast_in_dim3A_724 = vector.broadcast %jit3A_723 : i32 to vector<256x128xi32>
    %select_n3A_725 = arith.select %lt3A_721, %broadcast_in_dim3A_724, %select_n3A_712 : vector<256x128xi1>, vector<256x128xi32>
    %slice3A_726 = vector.extract_strided_slice %dot_general3A_673 {offsets = [0, 512], sizes = [256, 128], strides = [1, 1]} : vector<256x2048xf32> to vector<256x128xf32>
    %sub3A_727 = vector.broadcast %broadcast_in_dim3A : vector<256x1xf32> to vector<256x128xf32>
    %sub3A_728 = arith.subf %sub3A_727, %slice3A_726 : vector<256x128xf32>
    %get3A_729 = arith.constant 0 : index
    %get3A_730 = arith.constant 6656 : index
    %get3A_731 = vector.load %arg9[%get3A_729, %get3A_730] : memref<1x8192xf32, #tpu.memory_space<vmem>>, vector<1x128xf32>
    %add3A_732 = vector.broadcast %get3A_731 : vector<1x128xf32> to vector<256x128xf32>
    %add3A_733 = arith.addf %sub3A_728, %add3A_732 : vector<256x128xf32>
    %lt3A_734 = arith.cmpf olt, %add3A_733, %select_n3A_722 : vector<256x128xf32>
    %select_n3A_735 = arith.select %lt3A_734, %add3A_733, %select_n3A_722 : vector<256x128xi1>, vector<256x128xf32>
    %jit3A_736 = arith.constant 6656 : i32
    %broadcast_in_dim3A_737 = vector.broadcast %jit3A_736 : i32 to vector<256x128xi32>
    %select_n3A_738 = arith.select %lt3A_734, %broadcast_in_dim3A_737, %select_n3A_725 : vector<256x128xi1>, vector<256x128xi32>
    %slice3A_739 = vector.extract_strided_slice %dot_general3A_673 {offsets = [0, 640], sizes = [256, 128], strides = [1, 1]} : vector<256x2048xf32> to vector<256x128xf32>
    %sub3A_740 = vector.broadcast %broadcast_in_dim3A : vector<256x1xf32> to vector<256x128xf32>
    %sub3A_741 = arith.subf %sub3A_740, %slice3A_739 : vector<256x128xf32>
    %get3A_742 = arith.constant 0 : index
    %get3A_743 = arith.constant 6784 : index
    %get3A_744 = vector.load %arg9[%get3A_742, %get3A_743] : memref<1x8192xf32, #tpu.memory_space<vmem>>, vector<1x128xf32>
    %add3A_745 = vector.broadcast %get3A_744 : vector<1x128xf32> to vector<256x128xf32>
    %add3A_746 = arith.addf %sub3A_741, %add3A_745 : vector<256x128xf32>
    %lt3A_747 = arith.cmpf olt, %add3A_746, %select_n3A_735 : vector<256x128xf32>
    %select_n3A_748 = arith.select %lt3A_747, %add3A_746, %select_n3A_735 : vector<256x128xi1>, vector<256x128xf32>
    %jit3A_749 = arith.constant 6784 : i32
    %broadcast_in_dim3A_750 = vector.broadcast %jit3A_749 : i32 to vector<256x128xi32>
    %select_n3A_751 = arith.select %lt3A_747, %broadcast_in_dim3A_750, %select_n3A_738 : vector<256x128xi1>, vector<256x128xi32>
    %slice3A_752 = vector.extract_strided_slice %dot_general3A_673 {offsets = [0, 768], sizes = [256, 128], strides = [1, 1]} : vector<256x2048xf32> to vector<256x128xf32>
    %sub3A_753 = vector.broadcast %broadcast_in_dim3A : vector<256x1xf32> to vector<256x128xf32>
    %sub3A_754 = arith.subf %sub3A_753, %slice3A_752 : vector<256x128xf32>
    %get3A_755 = arith.constant 0 : index
    %get3A_756 = arith.constant 6912 : index
    %get3A_757 = vector.load %arg9[%get3A_755, %get3A_756] : memref<1x8192xf32, #tpu.memory_space<vmem>>, vector<1x128xf32>
    %add3A_758 = vector.broadcast %get3A_757 : vector<1x128xf32> to vector<256x128xf32>
    %add3A_759 = arith.addf %sub3A_754, %add3A_758 : vector<256x128xf32>
    %lt3A_760 = arith.cmpf olt, %add3A_759, %select_n3A_748 : vector<256x128xf32>
    %select_n3A_761 = arith.select %lt3A_760, %add3A_759, %select_n3A_748 : vector<256x128xi1>, vector<256x128xf32>
    %jit3A_762 = arith.constant 6912 : i32
    %broadcast_in_dim3A_763 = vector.broadcast %jit3A_762 : i32 to vector<256x128xi32>
    %select_n3A_764 = arith.select %lt3A_760, %broadcast_in_dim3A_763, %select_n3A_751 : vector<256x128xi1>, vector<256x128xi32>
    %slice3A_765 = vector.extract_strided_slice %dot_general3A_673 {offsets = [0, 896], sizes = [256, 128], strides = [1, 1]} : vector<256x2048xf32> to vector<256x128xf32>
    %sub3A_766 = vector.broadcast %broadcast_in_dim3A : vector<256x1xf32> to vector<256x128xf32>
    %sub3A_767 = arith.subf %sub3A_766, %slice3A_765 : vector<256x128xf32>
    %get3A_768 = arith.constant 0 : index
    %get3A_769 = arith.constant 7040 : index
    %get3A_770 = vector.load %arg9[%get3A_768, %get3A_769] : memref<1x8192xf32, #tpu.memory_space<vmem>>, vector<1x128xf32>
    %add3A_771 = vector.broadcast %get3A_770 : vector<1x128xf32> to vector<256x128xf32>
    %add3A_772 = arith.addf %sub3A_767, %add3A_771 : vector<256x128xf32>
    %lt3A_773 = arith.cmpf olt, %add3A_772, %select_n3A_761 : vector<256x128xf32>
    %select_n3A_774 = arith.select %lt3A_773, %add3A_772, %select_n3A_761 : vector<256x128xi1>, vector<256x128xf32>
    %jit3A_775 = arith.constant 7040 : i32
    %broadcast_in_dim3A_776 = vector.broadcast %jit3A_775 : i32 to vector<256x128xi32>
    %select_n3A_777 = arith.select %lt3A_773, %broadcast_in_dim3A_776, %select_n3A_764 : vector<256x128xi1>, vector<256x128xi32>
    %slice3A_778 = vector.extract_strided_slice %dot_general3A_673 {offsets = [0, 1024], sizes = [256, 128], strides = [1, 1]} : vector<256x2048xf32> to vector<256x128xf32>
    %sub3A_779 = vector.broadcast %broadcast_in_dim3A : vector<256x1xf32> to vector<256x128xf32>
    %sub3A_780 = arith.subf %sub3A_779, %slice3A_778 : vector<256x128xf32>
    %get3A_781 = arith.constant 0 : index
    %get3A_782 = arith.constant 7168 : index
    %get3A_783 = vector.load %arg9[%get3A_781, %get3A_782] : memref<1x8192xf32, #tpu.memory_space<vmem>>, vector<1x128xf32>
    %add3A_784 = vector.broadcast %get3A_783 : vector<1x128xf32> to vector<256x128xf32>
    %add3A_785 = arith.addf %sub3A_780, %add3A_784 : vector<256x128xf32>
    %lt3A_786 = arith.cmpf olt, %add3A_785, %select_n3A_774 : vector<256x128xf32>
    %select_n3A_787 = arith.select %lt3A_786, %add3A_785, %select_n3A_774 : vector<256x128xi1>, vector<256x128xf32>
    %jit3A_788 = arith.constant 7168 : i32
    %broadcast_in_dim3A_789 = vector.broadcast %jit3A_788 : i32 to vector<256x128xi32>
    %select_n3A_790 = arith.select %lt3A_786, %broadcast_in_dim3A_789, %select_n3A_777 : vector<256x128xi1>, vector<256x128xi32>
    %slice3A_791 = vector.extract_strided_slice %dot_general3A_673 {offsets = [0, 1152], sizes = [256, 128], strides = [1, 1]} : vector<256x2048xf32> to vector<256x128xf32>
    %sub3A_792 = vector.broadcast %broadcast_in_dim3A : vector<256x1xf32> to vector<256x128xf32>
    %sub3A_793 = arith.subf %sub3A_792, %slice3A_791 : vector<256x128xf32>
    %get3A_794 = arith.constant 0 : index
    %get3A_795 = arith.constant 7296 : index
    %get3A_796 = vector.load %arg9[%get3A_794, %get3A_795] : memref<1x8192xf32, #tpu.memory_space<vmem>>, vector<1x128xf32>
    %add3A_797 = vector.broadcast %get3A_796 : vector<1x128xf32> to vector<256x128xf32>
    %add3A_798 = arith.addf %sub3A_793, %add3A_797 : vector<256x128xf32>
    %lt3A_799 = arith.cmpf olt, %add3A_798, %select_n3A_787 : vector<256x128xf32>
    %select_n3A_800 = arith.select %lt3A_799, %add3A_798, %select_n3A_787 : vector<256x128xi1>, vector<256x128xf32>
    %jit3A_801 = arith.constant 7296 : i32
    %broadcast_in_dim3A_802 = vector.broadcast %jit3A_801 : i32 to vector<256x128xi32>
    %select_n3A_803 = arith.select %lt3A_799, %broadcast_in_dim3A_802, %select_n3A_790 : vector<256x128xi1>, vector<256x128xi32>
    %slice3A_804 = vector.extract_strided_slice %dot_general3A_673 {offsets = [0, 1280], sizes = [256, 128], strides = [1, 1]} : vector<256x2048xf32> to vector<256x128xf32>
    %sub3A_805 = vector.broadcast %broadcast_in_dim3A : vector<256x1xf32> to vector<256x128xf32>
    %sub3A_806 = arith.subf %sub3A_805, %slice3A_804 : vector<256x128xf32>
    %get3A_807 = arith.constant 0 : index
    %get3A_808 = arith.constant 7424 : index
    %get3A_809 = vector.load %arg9[%get3A_807, %get3A_808] : memref<1x8192xf32, #tpu.memory_space<vmem>>, vector<1x128xf32>
    %add3A_810 = vector.broadcast %get3A_809 : vector<1x128xf32> to vector<256x128xf32>
    %add3A_811 = arith.addf %sub3A_806, %add3A_810 : vector<256x128xf32>
    %lt3A_812 = arith.cmpf olt, %add3A_811, %select_n3A_800 : vector<256x128xf32>
    %select_n3A_813 = arith.select %lt3A_812, %add3A_811, %select_n3A_800 : vector<256x128xi1>, vector<256x128xf32>
    %jit3A_814 = arith.constant 7424 : i32
    %broadcast_in_dim3A_815 = vector.broadcast %jit3A_814 : i32 to vector<256x128xi32>
    %select_n3A_816 = arith.select %lt3A_812, %broadcast_in_dim3A_815, %select_n3A_803 : vector<256x128xi1>, vector<256x128xi32>
    %slice3A_817 = vector.extract_strided_slice %dot_general3A_673 {offsets = [0, 1408], sizes = [256, 128], strides = [1, 1]} : vector<256x2048xf32> to vector<256x128xf32>
    %sub3A_818 = vector.broadcast %broadcast_in_dim3A : vector<256x1xf32> to vector<256x128xf32>
    %sub3A_819 = arith.subf %sub3A_818, %slice3A_817 : vector<256x128xf32>
    %get3A_820 = arith.constant 0 : index
    %get3A_821 = arith.constant 7552 : index
    %get3A_822 = vector.load %arg9[%get3A_820, %get3A_821] : memref<1x8192xf32, #tpu.memory_space<vmem>>, vector<1x128xf32>
    %add3A_823 = vector.broadcast %get3A_822 : vector<1x128xf32> to vector<256x128xf32>
    %add3A_824 = arith.addf %sub3A_819, %add3A_823 : vector<256x128xf32>
    %lt3A_825 = arith.cmpf olt, %add3A_824, %select_n3A_813 : vector<256x128xf32>
    %select_n3A_826 = arith.select %lt3A_825, %add3A_824, %select_n3A_813 : vector<256x128xi1>, vector<256x128xf32>
    %jit3A_827 = arith.constant 7552 : i32
    %broadcast_in_dim3A_828 = vector.broadcast %jit3A_827 : i32 to vector<256x128xi32>
    %select_n3A_829 = arith.select %lt3A_825, %broadcast_in_dim3A_828, %select_n3A_816 : vector<256x128xi1>, vector<256x128xi32>
    %slice3A_830 = vector.extract_strided_slice %dot_general3A_673 {offsets = [0, 1536], sizes = [256, 128], strides = [1, 1]} : vector<256x2048xf32> to vector<256x128xf32>
    %sub3A_831 = vector.broadcast %broadcast_in_dim3A : vector<256x1xf32> to vector<256x128xf32>
    %sub3A_832 = arith.subf %sub3A_831, %slice3A_830 : vector<256x128xf32>
    %get3A_833 = arith.constant 0 : index
    %get3A_834 = arith.constant 7680 : index
    %get3A_835 = vector.load %arg9[%get3A_833, %get3A_834] : memref<1x8192xf32, #tpu.memory_space<vmem>>, vector<1x128xf32>
    %add3A_836 = vector.broadcast %get3A_835 : vector<1x128xf32> to vector<256x128xf32>
    %add3A_837 = arith.addf %sub3A_832, %add3A_836 : vector<256x128xf32>
    %lt3A_838 = arith.cmpf olt, %add3A_837, %select_n3A_826 : vector<256x128xf32>
    %select_n3A_839 = arith.select %lt3A_838, %add3A_837, %select_n3A_826 : vector<256x128xi1>, vector<256x128xf32>
    %jit3A_840 = arith.constant 7680 : i32
    %broadcast_in_dim3A_841 = vector.broadcast %jit3A_840 : i32 to vector<256x128xi32>
    %select_n3A_842 = arith.select %lt3A_838, %broadcast_in_dim3A_841, %select_n3A_829 : vector<256x128xi1>, vector<256x128xi32>
    %slice3A_843 = vector.extract_strided_slice %dot_general3A_673 {offsets = [0, 1664], sizes = [256, 128], strides = [1, 1]} : vector<256x2048xf32> to vector<256x128xf32>
    %sub3A_844 = vector.broadcast %broadcast_in_dim3A : vector<256x1xf32> to vector<256x128xf32>
    %sub3A_845 = arith.subf %sub3A_844, %slice3A_843 : vector<256x128xf32>
    %get3A_846 = arith.constant 0 : index
    %get3A_847 = arith.constant 7808 : index
    %get3A_848 = vector.load %arg9[%get3A_846, %get3A_847] : memref<1x8192xf32, #tpu.memory_space<vmem>>, vector<1x128xf32>
    %add3A_849 = vector.broadcast %get3A_848 : vector<1x128xf32> to vector<256x128xf32>
    %add3A_850 = arith.addf %sub3A_845, %add3A_849 : vector<256x128xf32>
    %lt3A_851 = arith.cmpf olt, %add3A_850, %select_n3A_839 : vector<256x128xf32>
    %select_n3A_852 = arith.select %lt3A_851, %add3A_850, %select_n3A_839 : vector<256x128xi1>, vector<256x128xf32>
    %jit3A_853 = arith.constant 7808 : i32
    %broadcast_in_dim3A_854 = vector.broadcast %jit3A_853 : i32 to vector<256x128xi32>
    %select_n3A_855 = arith.select %lt3A_851, %broadcast_in_dim3A_854, %select_n3A_842 : vector<256x128xi1>, vector<256x128xi32>
    %slice3A_856 = vector.extract_strided_slice %dot_general3A_673 {offsets = [0, 1792], sizes = [256, 128], strides = [1, 1]} : vector<256x2048xf32> to vector<256x128xf32>
    %sub3A_857 = vector.broadcast %broadcast_in_dim3A : vector<256x1xf32> to vector<256x128xf32>
    %sub3A_858 = arith.subf %sub3A_857, %slice3A_856 : vector<256x128xf32>
    %get3A_859 = arith.constant 0 : index
    %get3A_860 = arith.constant 7936 : index
    %get3A_861 = vector.load %arg9[%get3A_859, %get3A_860] : memref<1x8192xf32, #tpu.memory_space<vmem>>, vector<1x128xf32>
    %add3A_862 = vector.broadcast %get3A_861 : vector<1x128xf32> to vector<256x128xf32>
    %add3A_863 = arith.addf %sub3A_858, %add3A_862 : vector<256x128xf32>
    %lt3A_864 = arith.cmpf olt, %add3A_863, %select_n3A_852 : vector<256x128xf32>
    %select_n3A_865 = arith.select %lt3A_864, %add3A_863, %select_n3A_852 : vector<256x128xi1>, vector<256x128xf32>
    %jit3A_866 = arith.constant 7936 : i32
    %broadcast_in_dim3A_867 = vector.broadcast %jit3A_866 : i32 to vector<256x128xi32>
    %select_n3A_868 = arith.select %lt3A_864, %broadcast_in_dim3A_867, %select_n3A_855 : vector<256x128xi1>, vector<256x128xi32>
    %slice3A_869 = vector.extract_strided_slice %dot_general3A_673 {offsets = [0, 1920], sizes = [256, 128], strides = [1, 1]} : vector<256x2048xf32> to vector<256x128xf32>
    %sub3A_870 = vector.broadcast %broadcast_in_dim3A : vector<256x1xf32> to vector<256x128xf32>
    %sub3A_871 = arith.subf %sub3A_870, %slice3A_869 : vector<256x128xf32>
    %get3A_872 = arith.constant 0 : index
    %get3A_873 = arith.constant 8064 : index
    %get3A_874 = vector.load %arg9[%get3A_872, %get3A_873] : memref<1x8192xf32, #tpu.memory_space<vmem>>, vector<1x128xf32>
    %add3A_875 = vector.broadcast %get3A_874 : vector<1x128xf32> to vector<256x128xf32>
    %add3A_876 = arith.addf %sub3A_871, %add3A_875 : vector<256x128xf32>
    %lt3A_877 = arith.cmpf olt, %add3A_876, %select_n3A_865 : vector<256x128xf32>
    %select_n3A_878 = arith.select %lt3A_877, %add3A_876, %select_n3A_865 : vector<256x128xi1>, vector<256x128xf32>
    %jit3A_879 = arith.constant 8064 : i32
    %broadcast_in_dim3A_880 = vector.broadcast %jit3A_879 : i32 to vector<256x128xi32>
    %select_n3A_881 = arith.select %lt3A_877, %broadcast_in_dim3A_880, %select_n3A_868 : vector<256x128xi1>, vector<256x128xi32>
    %iota3A = tpu.iota {dimensions = array<i32: 1>} : vector<256x128xi32>
    %add3A_882 = arith.addi %select_n3A_881, %iota3A : vector<256x128xi32>
    %reduce_min3A = arith.constant dense<0x7F800000> : vector<256xf32>
    %reduce_min3A_883 = vector.multi_reduction <minimumf>, %select_n3A_878, %reduce_min3A [1] : vector<256x128xf32> to vector<256xf32>
    %broadcast_in_dim3A_884 = vector.shape_cast %reduce_min3A_883 : vector<256xf32> to vector<256x1xf32>
    %eq3A_885 = vector.broadcast %broadcast_in_dim3A_884 : vector<256x1xf32> to vector<256x128xf32>
    %eq3A_886 = arith.cmpf oeq, %select_n3A_878, %eq3A_885 : vector<256x128xf32>
    %jit3A_887 = arith.constant 8192 : i32
    %broadcast_in_dim3A_888 = vector.broadcast %jit3A_887 : i32 to vector<256x128xi32>
    %select_n3A_889 = arith.select %eq3A_886, %add3A_882, %broadcast_in_dim3A_888 : vector<256x128xi1>, vector<256x128xi32>
    %reduce_min3A_890 = arith.constant dense<2147483647> : vector<256xi32>
    %reduce_min3A_891 = vector.multi_reduction <minsi>, %select_n3A_889, %reduce_min3A_890 [1] : vector<256x128xi32> to vector<256xi32>
    %broadcast_in_dim3A_892 = vector.shape_cast %reduce_min3A_891 : vector<256xi32> to vector<256x1xi32>
    %reshape3A = vector.shape_cast %broadcast_in_dim3A_892 : vector<256x1xi32> to vector<1x1x256xi32>
    %swap3A_893 = arith.constant 0 : index
    %swap3A_894 = arith.constant 0 : index
    %swap3A_895 = arith.constant 0 : index
    %swap3A_896 = vector.load %arg8[%swap3A_893, %swap3A_894, %swap3A_895] : memref<1x1x256xi32, #tpu.memory_space<vmem>>, vector<1x1x256xi32>
    tpu.vector_store %arg8[%swap3A_893, %swap3A_894, %swap3A_895], %reshape3A {strides = array<i32>} : memref<1x1x256xi32, #tpu.memory_space<vmem>>, vector<1x1x256xi32>,
    return
  }
  func.func @transform_0(%arg0: i32) -> (i32, i32) {
    %c0_i32 = arith.constant 0 : i32
    %c0_i32_0 = arith.constant 0 : i32
    return %arg0, %c0_i32 : i32, i32
  }
  func.func @transform_1(%arg0: i32) -> (i32, i32) {
    %c0_i32 = arith.constant 0 : i32
    %c0_i32_0 = arith.constant 0 : i32
    %c0_i32_1 = arith.constant 0 : i32
    return %c0_i32, %c0_i32_0 : i32, i32
  }
  func.func @transform_2(%arg0: i32) -> (i32, i32) {
    %c0_i32 = arith.constant 0 : i32
    %c0_i32_0 = arith.constant 0 : i32
    %c0_i32_1 = arith.constant 0 : i32
    return %c0_i32, %c0_i32_0 : i32, i32
  }
  func.func @transform_3(%arg0: i32) -> (i32, i32) {
    %c0_i32 = arith.constant 0 : i32
    %c0_i32_0 = arith.constant 0 : i32
    %c0_i32_1 = arith.constant 0 : i32
    return %c0_i32, %c0_i32_0 : i32, i32
  }
  func.func @transform_4(%arg0: i32) -> (i32, i32) {
    %c0_i32 = arith.constant 0 : i32
    %c0_i32_0 = arith.constant 0 : i32
    %c0_i32_1 = arith.constant 0 : i32
    return %c0_i32, %c0_i32_0 : i32, i32
  }
  func.func @transform_5(%arg0: i32) -> (i32, i32) {
    %c0_i32 = arith.constant 0 : i32
    %c0_i32_0 = arith.constant 0 : i32
    %c0_i32_1 = arith.constant 0 : i32
    return %c0_i32, %c0_i32_0 : i32, i32
  }
  func.func @transform_6(%arg0: i32) -> (i32, i32) {
    %c0_i32 = arith.constant 0 : i32
    %c0_i32_0 = arith.constant 0 : i32
    return %arg0, %c0_i32 : i32, i32
  }
  func.func @transform_7(%arg0: i32) -> (i32, i32, i32) {
    %c0_i32 = arith.constant 0 : i32
    %c0_i32_0 = arith.constant 0 : i32
    %c0_i32_1 = arith.constant 0 : i32
    return %arg0, %c0_i32, %c0_i32_0 : i32, i32, i32
  }
}

module attributes {stable_mosaic.version = 14 : i64} {
  func.func @_decoder_body(%arg0: i32, %arg1: memref<1024x32xf32, #tpu.memory_space<vmem>>, %arg2: memref<32x256xf32, #tpu.memory_space<vmem>>, %arg3: memref<1x256xf32, #tpu.memory_space<vmem>>, %arg4: memref<256x128xf32, #tpu.memory_space<vmem>>, %arg5: memref<1x128xf32, #tpu.memory_space<vmem>>, %arg6: memref<1024x128xf32, #tpu.memory_space<vmem>>) attributes {dimension_semantics = [#tpu.dimension_semantics<arbitrary>], iteration_bounds = array<i64: 8>, scalar_prefetch = 0 : i64, scratch_operands = 0 : i64, tpu.core_type = #tpu.core_type<tc>, window_params = [{transform_indices = @transform_0, window_bounds = array<i64: 1024, 32>}, {pipeline_mode = #tpu.pipeline_mode<synchronous>, transform_indices = @transform_1, window_bounds = array<i64: 32, 256>}, {pipeline_mode = #tpu.pipeline_mode<synchronous>, transform_indices = @transform_2, window_bounds = array<i64: 1, 256>}, {pipeline_mode = #tpu.pipeline_mode<synchronous>, transform_indices = @transform_3, window_bounds = array<i64: 256, 128>}, {pipeline_mode = #tpu.pipeline_mode<synchronous>, transform_indices = @transform_4, window_bounds = array<i64: 1, 128>}, {transform_indices = @transform_5, window_bounds = array<i64: 1024, 128>}]} {
    %get3A = arith.constant 0 : index
    %get3A_0 = arith.constant 0 : index
    %get3A_1 = vector.load %arg1[%get3A, %get3A_0] : memref<1024x32xf32, #tpu.memory_space<vmem>>, vector<1024x32xf32>
    %get3A_2 = arith.constant 0 : index
    %get3A_3 = arith.constant 0 : index
    %get3A_4 = vector.load %arg2[%get3A_2, %get3A_3] : memref<32x256xf32, #tpu.memory_space<vmem>>, vector<32x256xf32>
    %dot_general3A = arith.constant dense<0.000000e+00> : vector<1024x256xf32>
    %dot_general3A_5 = tpu.matmul %get3A_1, %get3A_4, %dot_general3A {dimension_numbers = #tpu.dot_dimension_numbers<[1], [0], [0], [1], [0, 0, 1, 1], [], []>, transpose_lhs_hint = false} : vector<1024x32xf32>, vector<32x256xf32>, vector<1024x256xf32> -> vector<1024x256xf32>
    %get3A_6 = arith.constant 0 : index
    %get3A_7 = arith.constant 0 : index
    %get3A_8 = vector.load %arg3[%get3A_6, %get3A_7] : memref<1x256xf32, #tpu.memory_space<vmem>>, vector<1x256xf32>
    %add3A = vector.broadcast %get3A_8 : vector<1x256xf32> to vector<1024x256xf32>
    %add3A_9 = arith.addf %dot_general3A_5, %add3A : vector<1024x256xf32>
    %max3A = arith.constant 0.000000e+00 : f32
    %max3A_10 = vector.broadcast %max3A : f32 to vector<1024x256xf32>
    %max3A_11 = arith.maximumf %add3A_9, %max3A_10 : vector<1024x256xf32>
    %get3A_12 = arith.constant 0 : index
    %get3A_13 = arith.constant 0 : index
    %get3A_14 = vector.load %arg4[%get3A_12, %get3A_13] : memref<256x128xf32, #tpu.memory_space<vmem>>, vector<256x128xf32>
    %dot_general3A_15 = arith.constant dense<0.000000e+00> : vector<1024x128xf32>
    %dot_general3A_16 = tpu.matmul %max3A_11, %get3A_14, %dot_general3A_15 {dimension_numbers = #tpu.dot_dimension_numbers<[1], [0], [0], [1], [0, 0, 1, 1], [], []>, transpose_lhs_hint = false} : vector<1024x256xf32>, vector<256x128xf32>, vector<1024x128xf32> -> vector<1024x128xf32>
    %get3A_17 = arith.constant 0 : index
    %get3A_18 = arith.constant 0 : index
    %get3A_19 = vector.load %arg5[%get3A_17, %get3A_18] : memref<1x128xf32, #tpu.memory_space<vmem>>, vector<1x128xf32>
    %add3A_20 = vector.broadcast %get3A_19 : vector<1x128xf32> to vector<1024x128xf32>
    %add3A_21 = arith.addf %dot_general3A_16, %add3A_20 : vector<1024x128xf32>
    %swap3A = arith.constant 0 : index
    %swap3A_22 = arith.constant 0 : index
    %swap3A_23 = vector.load %arg6[%swap3A, %swap3A_22] : memref<1024x128xf32, #tpu.memory_space<vmem>>, vector<1024x128xf32>
    tpu.vector_store %arg6[%swap3A, %swap3A_22], %add3A_21 {strides = array<i32>} : memref<1024x128xf32, #tpu.memory_space<vmem>>, vector<1024x128xf32>,
    return
  }
  func.func @transform_0(%arg0: i32) -> (i32, i32) {
    %c0_i32 = arith.constant 0 : i32
    %c0_i32_0 = arith.constant 0 : i32
    return %arg0, %c0_i32 : i32, i32
  }
  func.func @transform_1(%arg0: i32) -> (i32, i32) {
    %c0_i32 = arith.constant 0 : i32
    %c0_i32_0 = arith.constant 0 : i32
    %c0_i32_1 = arith.constant 0 : i32
    return %c0_i32, %c0_i32_0 : i32, i32
  }
  func.func @transform_2(%arg0: i32) -> (i32, i32) {
    %c0_i32 = arith.constant 0 : i32
    %c0_i32_0 = arith.constant 0 : i32
    %c0_i32_1 = arith.constant 0 : i32
    return %c0_i32, %c0_i32_0 : i32, i32
  }
  func.func @transform_3(%arg0: i32) -> (i32, i32) {
    %c0_i32 = arith.constant 0 : i32
    %c0_i32_0 = arith.constant 0 : i32
    %c0_i32_1 = arith.constant 0 : i32
    return %c0_i32, %c0_i32_0 : i32, i32
  }
  func.func @transform_4(%arg0: i32) -> (i32, i32) {
    %c0_i32 = arith.constant 0 : i32
    %c0_i32_0 = arith.constant 0 : i32
    %c0_i32_1 = arith.constant 0 : i32
    return %c0_i32, %c0_i32_0 : i32, i32
  }
  func.func @transform_5(%arg0: i32) -> (i32, i32) {
    %c0_i32 = arith.constant 0 : i32
    %c0_i32_0 = arith.constant 0 : i32
    return %arg0, %c0_i32 : i32, i32
  }
}

</mosaic_0001>

<sc_bundles>
// kernel: kernel.5.cloned.1.call-start
scs
__scs_entry_jumppad:
0x0: {  	(pc) =	sbr.rel $0x88, $3  }
0x1: {  	(tag) =	ssettag $0x0;
	lr =	simm.s32 $0x1  }
0x2: {  	[smem:$0x3F97] =	sst lr;
	_ =	strace $0xD0000000  }
0x3: {  	_ = 	snop  }
0x4: {  	_ = 	snop  }
0x5: {  	_ = 	snop  }
0x6: {  	_ = 	snop  }
0x7: {  	_ = 	snop  }
__scs_overlays_trampoline_lowered:
0x8: {  	[smem:$0x3FA6] =	sst s0  }
0x9: {  	[smem:$0x3FA7] =	sst s1  }
0xa: {  	[smem:$0x3FA8] =	sst s2  }
0xb: {  	[smem:$0x3FA9] =	sst s3  }
0xc: {  	[smem:$0x3FAA] =	sst s4  }
0xd: {  	[smem:$0x3FAB] =	sst s5  }
0xe: {  	[smem:$0x3FAC] =	sst s6  }
0xf: {  	[smem:$0x3FAD] =	sst s7  }
0x10: {  	[smem:$0x3FAE] =	sst s8  }
0x11: {  	[smem:$0x3FAF] =	sst s9;
	s0 =	simm.s32 @!p0 $0x0  }
0x12: {  	s1 =	sld [smem:$0x3F95];
	s0 =	simm.s32 @p0 $0x1  }
0x13: {  	[smem:$0x3FB0] =	sst s0;
	s0 =	simm.s32 @!p1 $0x0  }
0x14: {  	s2 =	sld [smem:$0x3F94];
	s0 =	simm.s32 @p1 $0x1  }
0x15: {  	[smem:$0x3FB1] =	sst s0;
	s0 =	simm.s32 @!p2 $0x0  }
0x16: {  	s3 =	sld [smem:$0x3FDB];
	s0 =	simm.s32 @p2 $0x1  }
0x17: {  	s4 =	simm.s32 $0x1BF5;
	[smem:$0x3FB3] =	sst s0  }
0x18: {  	s0 =	sld [smem:$0x3F96];
	_ =	swait.ge [sflag:s4], $0x0  }
0x19: {  	s7 =	sld [smem:$0x3F97]  }
0x1a: {  	s8 =	sadd.s32 $0xFFFFE003, lr  }
0x1b: {  	s9 =	sadd.s32 $0xFFFFFEF7, lr;
	s5 =	simm.s32 $0xFFFFFFFF;
	p2 =	slt.u32 s8, $0xFFFFF086  }
0x1c: {  	p1 =	slt.u32 s9, $0xF7A;
	s5 =	simm.s32 @!p2 $0x0  }
0x1d: {  	s5 =	simm.s32 @p1 $0x1;
	p0 =	seq.s32 s7, s2  }
0x1e: {  	s7 =	smul.u32 @!p0 $0xF7A, s2;
	p2 =	seq.s32 @!p0 s5, $0x0  }
0x1f: {  	s9 =	smul.u32 $0xF7A, s1;
	s8 =	simm.s32 @!p0 $0x1BF5;
	p2 =	por !p2, p0  }
0x20: {  	[sflag:s8] =	ssyncset.s32 @!p0 $0xFFFFF086;
	s6 =	sadd.s32 @!p0 s3, s7;
	s7 =	simm.s32 @!p0 $0x108  }
0x21: {  	s3 =	sadd.s32 s3, s9;
	s6 =	sadd.s32 @!p0 $0x88, s6;
	s7 =	simm.s32 @p2 $0x1082  }
0x22: {  	[simem:s7], [sflag:s8] =	dma.local @!p0 [hbm:s6], $0xF7A  }
0x23: {  	s9 =	sor.u32 $0xD0000000, s2;
	s6 =	simm.s32 $0x108;
	_ =	swait.ge @!p0 [sflag:s8], $0x0  }
0x24: {  	s3 =	sadd.s32 $0x88, s3;
	s6 =	simm.s32 @!p1 $0x1082;
	[sflag:s4] =	ssyncset.s32 $0xFFFFF086  }
0x25: {  	[simem:s6], [sflag:s4] =	dma.local [hbm:s3], $0xF7A  }
0x26: {  	[smem:$0x3F97] =	sst s1;
	(tag) =	ssettag s2;
	_ =	strace s9  }
0x27: {  	s1 =	sld [smem:$0x3FA7]  }
0x28: {  	s2 =	sld [smem:$0x3FA8]  }
0x29: {  	s4 =	sld [smem:$0x3FAA]  }
0x2a: {  	p0 =	seq.s32 s5, $0x0;
	s5 =	sld [smem:$0x3FAB]  }
0x2b: {  	s6 =	sld [smem:$0x3FAC]  }
0x2c: {  	s7 =	sld [smem:$0x3FAD]  }
0x2d: {  	s3 =	simm.s32 $0x108;
	s8 =	sld [smem:$0x3FAE]  }
0x2e: {  	s3 =	simm.s32 @!p0 $0x1082;
	s9 =	sld [smem:$0x3FAF]  }
0x2f: {  	lr =	sadd.s32 s0, s3;
	s0 =	sld [smem:$0x3FA6]  }
0x30: {  	s3 =	sld [smem:$0x3FA9]  }
0x31: {  	[smem:$0x3FB2] =	sst s10  }
0x32: {  	s10 =	sld [smem:$0x3FB0];
	_ =	sdelay $0x3  }
0x33: {  	p0 =	seq.s32 s10, $0x1;
	s10 =	sld [smem:$0x3FB2];
	_ =	sdelay $0x3  }
0x34: {  	[smem:$0x3FB2] =	sst s10  }
0x35: {  	s10 =	sld [smem:$0x3FB1];
	_ =	sdelay $0x3  }
0x36: {  	p1 =	seq.s32 s10, $0x1;
	s10 =	sld [smem:$0x3FB2];
	_ =	sdelay $0x3  }
0x37: {  	[smem:$0x3FB2] =	sst s10  }
0x38: {  	s10 =	sld [smem:$0x3FB3]  }
0x39: {  	_ = 	snop;
	(pc) =	sbr.ind lr, $3  }
0x3a: {  	_ = 	snop  }
0x3b: {  	_ = 	snop  }
0x3c: {  	p2 =	seq.s32 s10, $0x1;
	s10 =	sld [smem:$0x3FB2]  }
0x3d: {  	_ =	shalt  }
0x3e: {  	_ =	shalt  }
0x3f: {  	_ =	shalt  }
0x40: {  	_ =	shalt  }
0x41: {  	_ =	shalt  }
0x42: {  	_ =	shalt  }
0x43: {  	_ =	shalt  }
0x44: {  	_ =	shalt  }
0x45: {  	_ =	shalt  }
0x46: {  	_ =	shalt  }
0x47: {  	_ =	shalt  }
0x48: {  	_ =	shalt  }
0x49: {  	_ =	shalt  }
0x4a: {  	_ =	shalt  }
0x4b: {  	_ =	shalt  }
0x4c: {  	_ =	shalt  }
0x4d: {  	_ =	shalt  }
0x4e: {  	_ =	shalt  }
0x4f: {  	_ =	shalt  }
0x50: {  	_ =	shalt  }
0x51: {  	_ =	shalt  }
0x52: {  	_ =	shalt  }
0x53: {  	_ =	shalt  }
0x54: {  	_ =	shalt  }
0x55: {  	_ =	shalt  }
0x56: {  	_ =	shalt  }
0x57: {  	_ =	shalt  }
0x58: {  	_ =	shalt  }
0x59: {  	_ =	shalt  }
0x5a: {  	_ =	shalt  }
0x5b: {  	_ =	shalt  }
0x5c: {  	_ =	shalt  }
0x5d: {  	_ =	shalt  }
0x5e: {  	_ =	shalt  }
0x5f: {  	_ =	shalt  }
0x60: {  	_ =	shalt  }
0x61: {  	_ =	shalt  }
0x62: {  	_ =	shalt  }
0x63: {  	_ =	shalt  }
0x64: {  	_ =	shalt  }
0x65: {  	_ =	shalt  }
0x66: {  	_ =	shalt  }
0x67: {  	_ =	shalt  }
0x68: {  	_ =	shalt  }
0x69: {  	_ =	shalt  }
0x6a: {  	_ =	shalt  }
0x6b: {  	_ =	shalt  }
0x6c: {  	_ =	shalt  }
0x6d: {  	_ =	shalt  }
0x6e: {  	_ =	shalt  }
0x6f: {  	_ =	shalt  }
0x70: {  	_ =	shalt  }
0x71: {  	_ =	shalt  }
0x72: {  	_ =	shalt  }
0x73: {  	_ =	shalt  }
0x74: {  	_ =	shalt  }
0x75: {  	_ =	shalt  }
0x76: {  	_ =	shalt  }
0x77: {  	_ =	shalt  }
0x78: {  	_ =	shalt  }
0x79: {  	_ =	shalt  }
0x7a: {  	_ =	shalt  }
0x7b: {  	_ =	shalt  }
0x7c: {  	_ =	shalt  }
0x7d: {  	_ =	shalt  }
0x7e: {  	_ =	shalt  }
0x7f: {  	_ =	shalt  }
0x80: {  	_ =	shalt  }
0x81: {  	_ =	shalt  }
0x82: {  	_ =	shalt  }
0x83: {  	_ =	shalt  }
0x84: {  	_ =	shalt  }
0x85: {  	_ =	shalt  }
0x86: {  	_ =	shalt  }
0x87: {  	_ =	shalt  }
.Lfunc_end0:
.L_simem_size_0:
called_computation_lowered:
.L_overlay_start_0:
0x88: {  	s2 =	sld [smem:$0x3FD9]  }
0x89: {  	s3 =	sld [smem:$0x3FFE];
	_ =	sdelay $0x1  }
0x8a: {  	s1 =	srdreg.scid  }
0x8b: {  	s0 =	sand.u32 $0x1, s1  }
0x8c: {  	s15 =	sshll.u32 s0, $0xA;
	s2 =	sadd.s32 s3, s2  }
0x8d: {  	s2 =	sadd.s32 s2, s15  }
0x8e: {  	[smem:$0x3FBE] =	sst s2  }
0x8f: {  	_ = 	snop  }
0x90: {  	s2 =	sld [smem:$0x3FD0];
	_ =	sdelay $0x2  }
0x91: {  	s16 =	simm.s32 $0xA;
	s4 =	simm.s32 $0x10  }
0x92: {  	[smem:s4], [sflag:s16] =	dma.local [hbm:s2], $0x1  }
0x93: {  	_ =	swait.eq [sflag:s16], $0x1  }
0x94: {  	s17 =	sld [smem:$0x10];
	[sflag:s16] =	ssyncset.done $0x0  }
0x95: {  	s18 =	sld [smem:$0x12];
	[sflag:s16] =	ssyncadd.s32 $0xFFFFFFFF  }
0x96: {  	s19 =	sld [smem:$0x13];
	(tm) =	ssettm $0x1  }
0x97: {  	s5 =	sld [smem:$0x3FFB];
	_ =	sdelay $0x3  }
0x98: {  	_ =	strace s5  }
0x99: {  	s5 =	sld [smem:$0x3FFC];
	_ =	sdelay $0x3  }
0x9a: {  	_ =	strace s5  }
0x9b: {  	s5 =	sld [smem:$0x3FFD];
	_ =	sdelay $0x3  }
0x9c: {  	_ =	strace s5  }
0x9d: {  	_ =	strace $0x8FFFFFFF  }
0x9e: {  	s20 =	sld [smem:$0x3FDB];
	_ =	sdelay $0x1  }
0x9f: {  	s6 =	simm.s32 $_scs_section_size  }
0xa0: {  	s7 =	simm.s32 $_size__tile_overlayer_lowered;
	s8 =	simm.s32 $_tile_overlayer_lowered  }
0xa1: {  	s23 =	simm.s32 $0x1BFF;
	s22 =	sshll.u32 s8, $0x1;
	s5 =	sadd.s32 s6, s20  }
0xa2: {  	s9 =	simm.s32 $0x0;
	s21 =	sshll.u32 s7, $0x1;
	s7 =	sadd.s32 s22, s5  }
0xa3: {  	[timem:s9], [sflag:s23] =	dma.local [hbm:s7], s21  }
0xa4: {  	_ =	swait.ge [sflag:s23], s21  }
0xa5: {  	s6 =	ssub.s32 $0x0, s21;
	[sflag:s23] =	ssyncset.done $0x0  }
0xa6: {  	[sflag:s23] =	ssyncadd.s32 s6;
	_ =	sdelay $0x1  }
0xa7: {  	s24 =	simm.s32 $0x1B8B  }
0xa8: {  	_ =	swait.ge [sflag:s24], $0x1  }
0xa9: {  	[sflag:s24] =	ssyncset.done $0x0  }
0xaa: {  	s25 =	simm.s32 $0x1B8E;
	[sflag:s24] =	ssyncadd.s32 $0xFFFFFFFF  }
0xab: {  	s26 =	simm.s32 $execute0_lowered;
	[smem:$0x3FD2] =	sst s25  }
0xac: {  	s6 =	sshll.u32 s26, $0x1;
	_ =	strace $0x80000046;
	[dreg:$0x1] =	wrdreg $0xFFFFFFFF  }
0xad: {  	s28 =	simm.s32 $_size_execute0_lowered;
	s5 =	sadd.s32 s5, s6;
	[dreg:$0x0] =	wrdreg $0x0  }
0xae: {  	s6 =	sshll.u32 s28, $0x1;
	[dreg:$0x2] =	wrdreg s5  }
0xaf: {  	[dreg:$0x3] =	wrdreg s6  }
0xb0: {  	[dreg:$0x4] =	wrdreg $0xC0  }
0xb1: {  	_ =	task [dreg:s9], $0x5FFFF  }
0xb2: {  	[dreg:$0x1] =	wrdreg $0xFFFFFFFF  }
0xb3: {  	[dreg:$0x0] =	wrdreg $0x60  }
0xb4: {  	[dreg:$0x2] =	wrdreg s18  }
0xb5: {  	[dreg:$0x3] =	wrdreg s19  }
0xb6: {  	[dreg:$0x4] =	wrdreg s17  }
0xb7: {  	[dreg:$0x5] =	wrdreg $0x9  }
0xb8: {  	_ =	task.clear_ibuf [dreg:s9], $0x6FFFF;
	_ =	strace $0x90000046  }
0xb9: {  	s29 =	simm.s32 $0x9;
	_ =	strace $0x80000048  }
0xba: {  	_ =	swait.ge [sflag:s29], $0x1  }
0xbb: {  	[sflag:s29] =	ssyncadd.s32 $0xFFFFFFFF  }
0xbc: {  	_ =	strace $0x90000048  }
0xbd: {  	_ =	sfence  }
0xbe: {  	s30 =	sld [smem:$0x0];
	_ =	sdelay $0x2  }
0xbf: {  	s31 =	sshll.u32 s1, $0xD;
	s1 =	sshrl.u32 s1, $0x2  }
0xc0: {  	s3 =	sand.u32 $0x4000, s31;
	s1 =	sadd.s32 s1, s30  }
0xc1: {  	s0 =	sor.u32 s3, s0;
	s1 =	sshll.u32 s1, $0x11  }
0xc2: {  	s0 =	sor.u32 s1, s0  }
0xc3: {  	s0 =	sadd.s32 $0x8F2B, s0  }
0xc4: {  	[sflag:s0] =	ssyncadd.remote.s32 $0x1  }
0xc5: {  	_ =	sfence.sel $0xFFFF  }
0xc6: {  	[dreg:$0x0] =	wrdreg $0xFFFFFFFF;
	(pc) =	sbr.abs _section_cstart, $3  }
0xc7: {  	[dreg:$0x1] =	wrdreg $0xFFFFFFFF  }
0xc8: {  	_ =	task.clear_ibuf [dreg:s9], $0x2FFFF;
	_ =	strace $0x9FFFFFFF  }
0xc9: {  	(tm) =	ssettm $0x7FFFFFFF  }
tec
execute0_lowered:
.L_overlay_start_1:
0x0: {  	(tag) =	ssettag $0x1  }
0x1: {  	s1 =	rddreg [dreg:$0x0]  }
0x2: {  	s2 =	srdreg.scid;
	s4 =	rddreg [dreg:$0x1]  }
0x3: {  	s0 =	stileid.u32;
	s8 =	rddreg [dreg:$0x2];
	s6 =	sand.u32 $0x1, s2  }
0x4: {  	s3 =	simm.s32 $0x0;
	s5 =	sshll.u32 s0, $0x9;
	s7 =	sshll.u32 s6, $0x8  }
0x5: {  	[smem:$0x7FF] =	sst s3;
	s9 =	sor.u32 s7, s5  }
0x6: {  	s2 =	rddreg [dreg:$0x3];
	_ =	strace $0x80000047;
	s5 =	sshrl.u32 s9, $0x3  }
0x7: {  	s10 =	ssub.s32 $0x2, s6;
	s5 =	sadd.s32 s4, s5;
	s4 =	simm.s32 $0x2  }
0x8: {  	[tilespmem:s3], [sflag:$0x2] =	stream.linear.gather [hbm4b:s5+s3], $0x100, $0x38;
	[tilespmem:$0x2100] =	vst v63  }
0x9: {  	s11 =	sshrl.u32 s10, $0x1;
	_ =	swait.ge [sflag:s4], $0x100  }
0xa: {  	s6 =	simm.s32 $0x100;
	s10 =	ssub.s32 s10, s11;
	[sflag:s4] =	ssyncset.done $0x0  }
0xb: {  	s7 =	simm.s32 $0x1;
	s31 =	smax.u32 s10, $0x1;
	[sflag:s4] =	ssyncadd.s32 $0xFFFFFF00  }
0xc: {  	[tilespmem:s6], [sflag:$0x1] =	stream.indirect.gather [hbm4b:s1+s6], $0x20, s3, s6, $0xb8;
	[tilespmem:$0x2100] =	vst v63  }
0xd: {  	p0 =	sne.s32 s31, $0x1;
	_ =	swait.ge [sflag:s7], $0x2000  }
.Ltmp0:
0xe: {  	s9 =	sshll.u32 s9, $0x2;
	[sflag:s7] =	ssyncset.done $0x0;
	(pc) =	sbr.rel @!p0 .LBB2_2-.Ltmp0, $4  }
0xf: {  	s8 =	sadd.s32 s8, s9;
	[sflag:s7] =	ssyncadd.s32 $0xFFFFE000  }
0x10: {  	[hbm4b:s8+s3] =	stream.linear.scatter [tilespmem:s6], [sflag:$0x2], $0x2000, $0x38;
	[tilespmem:$0x2100] =	vst v63  }
0x11: {  	_ =	swait.ge [sflag:s4], $0x2000  }
0x12: {  	s9 =	sadd.s32 $0xFFFFFFFF, s31;
	[sflag:s4] =	ssyncset.done $0x0  }
.LBB2_1:
0x13: {  	p0 =	sne.s32 s9, $0x1;
	s9 =	sadd.s32 $0xFFFFFFFF, s9;
	[sflag:s4] =	ssyncadd.s32 $0xFFFFE000  }
0x14: {  	[tilespmem:s3], [sflag:$0x2] =	stream.linear.gather [hbm4b:s5+s3], $0x100, $0x38;
	[tilespmem:$0x2100] =	vst v63  }
0x15: {  	_ =	swait.ge [sflag:s4], $0x100  }
0x16: {  	[sflag:s4] =	ssyncset.done $0x0  }
0x17: {  	[sflag:s4] =	ssyncadd.s32 $0xFFFFFF00  }
0x18: {  	[tilespmem:s6], [sflag:$0x1] =	stream.indirect.gather [hbm4b:s1+s6], $0x20, s3, s6, $0xb8;
	[tilespmem:$0x2100] =	vst v63  }
0x19: {  	_ =	swait.ge [sflag:s7], $0x2000  }
.Ltmp1:
0x1a: {  	[sflag:s7] =	ssyncset.done $0x0;
	(pc) =	sbr.rel @p0 .LBB2_1-.Ltmp1, $4  }
0x1b: {  	[sflag:s7] =	ssyncadd.s32 $0xFFFFE000  }
0x1c: {  	[hbm4b:s8+s3] =	stream.linear.scatter [tilespmem:s6], [sflag:$0x2], $0x2000, $0x38;
	[tilespmem:$0x2100] =	vst v63  }
0x1d: {  	_ =	swait.ge [sflag:s4], $0x2000  }
0x1e: {  	[sflag:s4] =	ssyncset.done $0x0  }
.LBB2_2:
0x1f: {  	[sflag:s4] =	ssyncadd.s32 $0xFFFFE000  }
0x20: {  	_ =	sfence.sel $0x180000  }
0x21: {  	[bflag:$0x0] =	sbarrier.arrive $0xFFFF  }
0x22: {  	p0 =	sne.s32 s0, $0x0;
	_ =	strace $0x90000047  }
0x23: {  	s0 =	sadd.s32 @!p0 $0x100000, s2;
	[bflag:$0x2] =	sbarrier.arrive $0xFFFF  }
0x24: {  	[sflag:s0] =	ssyncadd.tile.s32 @!p0 $0x1;
	_ =	shalt  }
.Lfunc_end2:
_tile_overlayer_lowered:
.L_overlay_start_2:
0x25: {  	(tag) =	ssettag $0x2  }
0x26: {  	s0 =	rddreg [dreg:$0x0];
	s2 =	stileid.u32  }
0x27: {  	s1 =	rddreg [dreg:$0x1];
	p0 =	sne.s32 s2, $0x0  }
0x28: {  	s3 =	rddreg [dreg:$0x2];
	[bflag:$0x3] =	sbarrier.arrive $0xFFFF;
	s2 =	simm.s32 @!p0 $0x1C02  }
0x29: {  	[timem:s3], [sflag:s2] =	dma.local @!p0 [hbm:s0], s1  }
0x2a: {  	s0 =	simm.s32 @!p0 $0x2  }
0x2b: {  	_ =	swait.ge @!p0 [sflag:s0], s1  }
0x2c: {  	s1 =	ssub.s32 @!p0 $0x0, s1;
	[sflag:s0] =	ssyncset.done @!p0 $0x0  }
0x2d: {  	[sflag:s0] =	ssyncadd.s32 @!p0 s1  }
0x2e: {  	[bflag:$0x3] =	sbarrier.arrive $0xFFFF  }
0x2f: {  	_ =	shalt  }

</sc_bundles>
